<compile_context>
chip_gen: v7x
topology: tpu7x:2x2x1
jax: 0.10.2.dev20260603
libtpu: 0.0.44.dev20260713+nightly
codegen_flags: <defaults>
</compile_context>

<pallas_src>
import functools

import jax
import jax.numpy as jnp
from jax import lax
from jax.experimental import pallas as pl
from jax.experimental.pallas import tpu as pltpu
from jax.experimental.pallas import tpu_sc as plsc

N = 10000
E = 320000
EMB = 128
OUT = 256
NDENSE = 3
NT = 12
RBF = 6


_BE = 12800


def _edge_body(rbfT_ref, x_ref, wrbf_ref, xg_ref):
    g = lax.dot_general(
        rbfT_ref[...],
        wrbf_ref[...],
        dimension_numbers=(((0,), (0,)), ((), ())),
        preferred_element_type=jnp.float32,
    )
    xg_ref[...] = g * x_ref[...]


def _edge_stage(rbf_T, x, W_rbf):
    return pl.pallas_call(
        _edge_body,
        grid=(E // _BE,),
        in_specs=[
            pl.BlockSpec((RBF, _BE), lambda i: (0, i)),
            pl.BlockSpec((_BE, EMB), lambda i: (i, 0)),
            pl.BlockSpec((RBF, EMB), lambda i: (0, 0)),
        ],
        out_specs=pl.BlockSpec((_BE, EMB), lambda i: (i, 0)),
        out_shape=jax.ShapeDtypeStruct((E, EMB), jnp.float32),
    )(rbf_T, x, W_rbf)



_NW = 32
_IR = E // 128
_IRT = 80
_IRT_LAST = _IR - 31 * _IRT
_CH = 128
_NCH = _IRT
_NCH_LAST = _IRT_LAST
_RPT = 624
_TAIL0 = 16 * _RPT


def _scatter_body(xg_hbm, idx_hbm, out_hbm, idx_v, buf0, buf1, sem0, sem1,
                  pooled_sh):
    c = lax.axis_index("c")
    s = lax.axis_index("s")
    w = s * 2 + c

    def _zrow(i, carry):
        for cc in range(EMB // 16):
            buf0[i, pl.ds(cc * 16, 16)] = jnp.zeros((16,), jnp.float32)
        return carry

    lax.fori_loop(0, _CH, _zrow, 0)

    for k in range(4):
        pltpu.sync_copy(buf0, pooled_sh.at[pl.ds(s * _RPT + k * _CH, _CH)])
    pltpu.sync_copy(
        buf0.at[pl.ds(0, _RPT - 4 * _CH)],
        pooled_sh.at[pl.ds(s * _RPT + 4 * _CH, _RPT - 4 * _CH)],
    )

    @pl.when(s == 15)
    def _():
        pltpu.sync_copy(buf0.at[pl.ds(0, 16)], pooled_sh.at[pl.ds(_TAIL0, 16)])

    plsc.subcore_barrier()

    @pl.when(w < 31)
    def _():
        pltpu.sync_copy(idx_hbm.at[pl.ds(w * _IRT, _IRT)], idx_v)

    @pl.when(w == 31)
    def _():
        pltpu.sync_copy(
            idx_hbm.at[pl.ds(31 * _IRT, _IRT_LAST)], idx_v.at[pl.ds(0, _IRT_LAST)]
        )

    nch = jnp.where(w == 31, _NCH_LAST, _NCH)
    edge_base = w * (_IRT * 128)

    def _load(i, buf, sem):
        pltpu.make_async_copy(
            xg_hbm.at[pl.ds(edge_base + i * _CH, _CH)], buf, sem
        ).start()

    def _wait(i, buf, sem):
        pltpu.make_async_copy(
            xg_hbm.at[pl.ds(edge_base + i * _CH, _CH)], buf, sem
        ).wait()

    def _scat(i, buf):
        pltpu.sync_copy(buf, pooled_sh.at[idx_v.at[i]], add=True)

    _load(0, buf0, sem0)

    def _pair(t, carry):
        i0 = 2 * t
        i1 = i0 + 1

        @pl.when(i1 < nch)
        def _():
            _load(i1, buf1, sem1)

        _wait(i0, buf0, sem0)
        _scat(i0, buf0)

        @pl.when(i1 + 1 < nch)
        def _():
            _load(i1 + 1, buf0, sem0)

        @pl.when(i1 < nch)
        def _():
            _wait(i1, buf1, sem1)
            _scat(i1, buf1)

        return carry

    lax.fori_loop(0, (nch + 1) // 2, _pair, 0)
    plsc.subcore_barrier()

    pltpu.sync_copy(
        pooled_sh.at[pl.ds(s * _RPT, _RPT)], out_hbm.at[c, pl.ds(s * _RPT, _RPT)]
    )

    @pl.when(s == 15)
    def _():
        pltpu.sync_copy(
            pooled_sh.at[pl.ds(_TAIL0, 16)], out_hbm.at[c, pl.ds(_TAIL0, 16)]
        )


def _scatter_stage(xg, idx2d):
    mesh = plsc.VectorSubcoreMesh(core_axis_name="c", subcore_axis_name="s")
    f = functools.partial(
        pl.kernel,
        mesh=mesh,
        out_type=jax.ShapeDtypeStruct((2, N, EMB), jnp.float32),
        scratch_types=[
            pltpu.VMEM((_IRT, 128), jnp.int32),
            pltpu.VMEM((_CH, EMB), jnp.float32),
            pltpu.VMEM((_CH, EMB), jnp.float32),
            pltpu.SemaphoreType.DMA,
            pltpu.SemaphoreType.DMA,
            pltpu.VMEM_SHARED((N, EMB), jnp.float32),
        ],
    )(_scatter_body)
    return f(xg, idx2d)



_BN = 1000


def _node_body(p0_ref, p1_ref, wup_ref, wmlp_ref, bmlp_ref, wout_ref, out_ref):
    pooled = p0_ref[0] + p1_ref[0]
    h = jnp.dot(pooled, wup_ref[...], preferred_element_type=jnp.float32)
    for i in range(NDENSE):
        z = jnp.dot(h, wmlp_ref[i], preferred_element_type=jnp.float32)
        z = z + bmlp_ref[i][None, :]
        h = z * (1.0 / (1.0 + jnp.exp(-z)))
    out_ref[...] = jnp.dot(h, wout_ref[...], preferred_element_type=jnp.float32)


def _node_stage(partial, W_up, W_mlp, b_mlp, W_out):
    return pl.pallas_call(
        _node_body,
        grid=(N // _BN,),
        in_specs=[
            pl.BlockSpec((1, _BN, EMB), lambda i: (0, i, 0)),
            pl.BlockSpec((1, _BN, EMB), lambda i: (1, i, 0)),
            pl.BlockSpec((EMB, OUT), lambda i: (0, 0)),
            pl.BlockSpec((NDENSE, OUT, OUT), lambda i: (0, 0, 0)),
            pl.BlockSpec((NDENSE, OUT), lambda i: (0, 0)),
            pl.BlockSpec((OUT, NT), lambda i: (0, 0)),
        ],
        out_specs=pl.BlockSpec((_BN, NT), lambda i: (i, 0)),
        out_shape=jax.ShapeDtypeStruct((N, NT), jnp.float32),
    )(partial, partial, W_up, W_mlp, b_mlp, W_out)


def kernel(n_atoms, x, rbf, tensor_index, W_rbf, W_up, W_mlp, b_mlp, W_out):
    del n_atoms
    idx2d = tensor_index.astype(jnp.int32).reshape(E // 128, 128)
    xg = _edge_stage(rbf.T, x, W_rbf)
    partial = _scatter_stage(xg, idx2d)
    return _node_stage(partial, W_up, W_mlp, b_mlp, W_out)

# --- scband reference (transcript-rebuilt; emitter-appended) ---
"""Pipeline reference for scband-dim-net-output-block-24953759989851 (READ-ONLY COPY).

The authoritative reference and input builder live on the scoring server;
editing this copy changes nothing except your own understanding.
"""

import jax, jax.numpy as jnp
import numpy as np

N = 10000
E = 320000
EMB = 128
OUT = 256
NDENSE = 3
NT = 12
RBF = 6


def swish(v):
    return v * jax.nn.sigmoid(v)


def setup_inputs(seed: int = 0) -> dict:
    key = jax.random.key(seed)
    ks = jax.random.split(key, 10)
    n_atoms = jax.random.normal(ks[0], (N, EMB), dtype=jnp.float32)
    x = jax.random.normal(ks[1], (E, EMB), dtype=jnp.float32)
    rbf = jax.random.uniform(ks[2], (E, RBF), dtype=jnp.float32)
    tensor_index = jax.random.randint(ks[3], (E,), 0, N, dtype=jnp.int64)
    W_rbf = jax.random.normal(ks[4], (RBF, EMB), dtype=jnp.float32) * 0.1
    W_up = jax.random.normal(ks[5], (EMB, OUT), dtype=jnp.float32) * 0.05
    W_mlp = jax.random.normal(ks[6], (NDENSE, OUT, OUT), dtype=jnp.float32) * 0.05
    b_mlp = jnp.zeros((NDENSE, OUT), dtype=jnp.float32)
    W_out = jax.random.normal(ks[7], (OUT, NT), dtype=jnp.float32) * 0.05
    return {"n_atoms": n_atoms, "x": x, "rbf": rbf, "tensor_index": tensor_index,
            "W_rbf": W_rbf, "W_up": W_up, "W_mlp": W_mlp, "b_mlp": b_mlp, "W_out": W_out}


def reference(n_atoms, x, rbf, tensor_index, W_rbf, W_up, W_mlp, b_mlp, W_out):
    # dense_rbf: Dense(emb_size, use_bias=False)
    g = rbf @ W_rbf                                  # [E, EMB]
    # dimnet_mult
    xg = g * x                                       # [E, EMB]
    # AggregateLocalEdges pooling_method='sum' over receiving node index
    pooled = jnp.zeros((n_atoms.shape[0], xg.shape[1]), dtype=xg.dtype).at[tensor_index].add(xg)  # [N, EMB]
    # up_projection: Dense(out_emb_size, use_bias=False)
    h = pooled @ W_up                                # [N, OUT]
    # GraphMLP: num_dense dense layers with swish + bias
    for i in range(NDENSE):
        h = swish(h @ W_mlp[i] + b_mlp[i])
    # dense_final: Dense(num_targets, use_bias=False)
    out = h @ W_out                                  # [N, NT]
    return out

if __name__ == "__main__":
    import jax
    _d = setup_inputs()
    print(jax.jit(kernel)(*tuple(_d.values())))

</pallas_src>

<mosaic_0001>
#map = affine_map<(d0, d1) -> (0, 0)>
#map1 = affine_map<(d0, d1) -> (0, 0, 0)>
module attributes {stable_mosaic.version = 14 : i64} {
  func.func @_scatter_body(%arg0: i32, %arg1: i32, %arg2: memref<320000x128xf32, #tpu.memory_space<hbm>>, %arg3: memref<2500x128xi32, #tpu.memory_space<hbm>>, %arg4: memref<2x10000x128xf32, #tpu.memory_space<hbm>>, %arg5: memref<80x128xi32, #tpu.memory_space<vmem>>, %arg6: memref<128x128xf32, #tpu.memory_space<vmem>>, %arg7: memref<128x128xf32, #tpu.memory_space<vmem>>, %arg8: memref<!tpu.dma_semaphore, #tpu.memory_space<semaphore_mem>>, %arg9: memref<!tpu.dma_semaphore, #tpu.memory_space<semaphore_mem>>, %arg10: memref<10000x128xf32, #tpu.memory_space<vmem_shared>>) attributes {dimension_semantics = [#tpu.dimension_semantics<core_parallel>, #tpu.dimension_semantics<subcore_parallel>], iteration_bounds = array<i64: 2, 16>, scalar_prefetch = 0 : i64, scratch_operands = 6 : i64, tpu.core_type = #tpu.core_type<sc_vector_subcore>, window_params = [{transform_indices = #map}, {transform_indices = #map}, {transform_indices = #map1}]} {
    %mul3A = arith.constant 2 : i32
    %mul3A_0 = arith.muli %arg1, %mul3A : i32
    %add3A = arith.addi %mul3A_0, %arg0 : i32
    %scan3A = arith.constant 0 : i32
    %scan3A_1 = arith.constant 0 : i32
    %scan3A_2 = arith.constant 128 : i32
    %scan3A_3 = arith.addi %scan3A_1, %scan3A_2 : i32
    %scan3A_4 = arith.constant 1 : i32
    scf.for %scan3A_86 = %scan3A_1 to %scan3A_3 step %scan3A_4  : i32 {
      %broadcast_in_dim3A = arith.constant 0.000000e+00 : f32
      %broadcast_in_dim3A_87 = vector.broadcast %broadcast_in_dim3A : f32 to vector<16xf32>
      %swap3A = arith.index_cast %scan3A_86 : i32 to index
      %swap3A_88 = arith.constant 0 : index
      %swap3A_89 = tpu.vector_load %arg6[%swap3A, %swap3A_88] {strides = array<i32>} : memref<128x128xf32, #tpu.memory_space<vmem>>, vector<1x16xf32>,
      %swap3A_90 = vector.shape_cast %swap3A_89 : vector<1x16xf32> to vector<16xf32>
      %swap3A_91 = vector.shape_cast %broadcast_in_dim3A_87 : vector<16xf32> to vector<1x16xf32>
      tpu.vector_store %arg6[%swap3A, %swap3A_88], %swap3A_91 {strides = array<i32>} : memref<128x128xf32, #tpu.memory_space<vmem>>, vector<1x16xf32>,
      %broadcast_in_dim3A_92 = arith.constant 0.000000e+00 : f32
      %broadcast_in_dim3A_93 = vector.broadcast %broadcast_in_dim3A_92 : f32 to vector<16xf32>
      %swap3A_94 = arith.index_cast %scan3A_86 : i32 to index
      %swap3A_95 = arith.constant 16 : index
      %swap3A_96 = tpu.vector_load %arg6[%swap3A_94, %swap3A_95] {strides = array<i32>} : memref<128x128xf32, #tpu.memory_space<vmem>>, vector<1x16xf32>,
      %swap3A_97 = vector.shape_cast %swap3A_96 : vector<1x16xf32> to vector<16xf32>
      %swap3A_98 = vector.shape_cast %broadcast_in_dim3A_93 : vector<16xf32> to vector<1x16xf32>
      tpu.vector_store %arg6[%swap3A_94, %swap3A_95], %swap3A_98 {strides = array<i32>} : memref<128x128xf32, #tpu.memory_space<vmem>>, vector<1x16xf32>,
      %broadcast_in_dim3A_99 = arith.constant 0.000000e+00 : f32
      %broadcast_in_dim3A_100 = vector.broadcast %broadcast_in_dim3A_99 : f32 to vector<16xf32>
      %swap3A_101 = arith.index_cast %scan3A_86 : i32 to index
      %swap3A_102 = arith.constant 32 : index
      %swap3A_103 = tpu.vector_load %arg6[%swap3A_101, %swap3A_102] {strides = array<i32>} : memref<128x128xf32, #tpu.memory_space<vmem>>, vector<1x16xf32>,
      %swap3A_104 = vector.shape_cast %swap3A_103 : vector<1x16xf32> to vector<16xf32>
      %swap3A_105 = vector.shape_cast %broadcast_in_dim3A_100 : vector<16xf32> to vector<1x16xf32>
      tpu.vector_store %arg6[%swap3A_101, %swap3A_102], %swap3A_105 {strides = array<i32>} : memref<128x128xf32, #tpu.memory_space<vmem>>, vector<1x16xf32>,
      %broadcast_in_dim3A_106 = arith.constant 0.000000e+00 : f32
      %broadcast_in_dim3A_107 = vector.broadcast %broadcast_in_dim3A_106 : f32 to vector<16xf32>
      %swap3A_108 = arith.index_cast %scan3A_86 : i32 to index
      %swap3A_109 = arith.constant 48 : index
      %swap3A_110 = tpu.vector_load %arg6[%swap3A_108, %swap3A_109] {strides = array<i32>} : memref<128x128xf32, #tpu.memory_space<vmem>>, vector<1x16xf32>,
      %swap3A_111 = vector.shape_cast %swap3A_110 : vector<1x16xf32> to vector<16xf32>
      %swap3A_112 = vector.shape_cast %broadcast_in_dim3A_107 : vector<16xf32> to vector<1x16xf32>
      tpu.vector_store %arg6[%swap3A_108, %swap3A_109], %swap3A_112 {strides = array<i32>} : memref<128x128xf32, #tpu.memory_space<vmem>>, vector<1x16xf32>,
      %broadcast_in_dim3A_113 = arith.constant 0.000000e+00 : f32
      %broadcast_in_dim3A_114 = vector.broadcast %broadcast_in_dim3A_113 : f32 to vector<16xf32>
      %swap3A_115 = arith.index_cast %scan3A_86 : i32 to index
      %swap3A_116 = arith.constant 64 : index
      %swap3A_117 = tpu.vector_load %arg6[%swap3A_115, %swap3A_116] {strides = array<i32>} : memref<128x128xf32, #tpu.memory_space<vmem>>, vector<1x16xf32>,
      %swap3A_118 = vector.shape_cast %swap3A_117 : vector<1x16xf32> to vector<16xf32>
      %swap3A_119 = vector.shape_cast %broadcast_in_dim3A_114 : vector<16xf32> to vector<1x16xf32>
      tpu.vector_store %arg6[%swap3A_115, %swap3A_116], %swap3A_119 {strides = array<i32>} : memref<128x128xf32, #tpu.memory_space<vmem>>, vector<1x16xf32>,
      %broadcast_in_dim3A_120 = arith.constant 0.000000e+00 : f32
      %broadcast_in_dim3A_121 = vector.broadcast %broadcast_in_dim3A_120 : f32 to vector<16xf32>
      %swap3A_122 = arith.index_cast %scan3A_86 : i32 to index
      %swap3A_123 = arith.constant 80 : index
      %swap3A_124 = tpu.vector_load %arg6[%swap3A_122, %swap3A_123] {strides = array<i32>} : memref<128x128xf32, #tpu.memory_space<vmem>>, vector<1x16xf32>,
      %swap3A_125 = vector.shape_cast %swap3A_124 : vector<1x16xf32> to vector<16xf32>
      %swap3A_126 = vector.shape_cast %broadcast_in_dim3A_121 : vector<16xf32> to vector<1x16xf32>
      tpu.vector_store %arg6[%swap3A_122, %swap3A_123], %swap3A_126 {strides = array<i32>} : memref<128x128xf32, #tpu.memory_space<vmem>>, vector<1x16xf32>,
      %broadcast_in_dim3A_127 = arith.constant 0.000000e+00 : f32
      %broadcast_in_dim3A_128 = vector.broadcast %broadcast_in_dim3A_127 : f32 to vector<16xf32>
      %swap3A_129 = arith.index_cast %scan3A_86 : i32 to index
      %swap3A_130 = arith.constant 96 : index
      %swap3A_131 = tpu.vector_load %arg6[%swap3A_129, %swap3A_130] {strides = array<i32>} : memref<128x128xf32, #tpu.memory_space<vmem>>, vector<1x16xf32>,
      %swap3A_132 = vector.shape_cast %swap3A_131 : vector<1x16xf32> to vector<16xf32>
      %swap3A_133 = vector.shape_cast %broadcast_in_dim3A_128 : vector<16xf32> to vector<1x16xf32>
      tpu.vector_store %arg6[%swap3A_129, %swap3A_130], %swap3A_133 {strides = array<i32>} : memref<128x128xf32, #tpu.memory_space<vmem>>, vector<1x16xf32>,
      %broadcast_in_dim3A_134 = arith.constant 0.000000e+00 : f32
      %broadcast_in_dim3A_135 = vector.broadcast %broadcast_in_dim3A_134 : f32 to vector<16xf32>
      %swap3A_136 = arith.index_cast %scan3A_86 : i32 to index
      %swap3A_137 = arith.constant 112 : index
      %swap3A_138 = tpu.vector_load %arg6[%swap3A_136, %swap3A_137] {strides = array<i32>} : memref<128x128xf32, #tpu.memory_space<vmem>>, vector<1x16xf32>,
      %swap3A_139 = vector.shape_cast %swap3A_138 : vector<1x16xf32> to vector<16xf32>
      %swap3A_140 = vector.shape_cast %broadcast_in_dim3A_135 : vector<16xf32> to vector<1x16xf32>
      tpu.vector_store %arg6[%swap3A_136, %swap3A_137], %swap3A_140 {strides = array<i32>} : memref<128x128xf32, #tpu.memory_space<vmem>>, vector<1x16xf32>,
    }
    %scan3A_5 = arith.constant 128 : i32
    %mul3A_6 = arith.constant 624 : i32
    %mul3A_7 = arith.muli %arg1, %mul3A_6 : i32
    %add3A_8 = arith.constant 0 : i32
    %add3A_9 = arith.addi %mul3A_7, %add3A_8 : i32
    "tpu.region"() ({
      %run_scoped3A = tpu.sem_alloc : memref<!tpu.dma_semaphore, #tpu.memory_space<semaphore_mem>>
      %dma_start3A_86 = arith.constant 0 : i32
      %dma_start3A_87 = tpu.memref_slice %arg10[%add3A_9, %dma_start3A_86] : memref<10000x128xf32, #tpu.memory_space<vmem_shared>> -> memref<128x128xf32, #tpu.memory_space<vmem_shared>>
      %dma_start3A_88 = arith.constant 0 : i32
      %dma_start3A_89 = tpu.memref_slice %arg10[%add3A_9, %dma_start3A_88] : memref<10000x128xf32, #tpu.memory_space<vmem_shared>> -> memref<128x128xf32, #tpu.memory_space<vmem_shared>>
      tpu.enqueue_dma source(%arg6 : memref<128x128xf32, #tpu.memory_space<vmem>>) target(%dma_start3A_89 : memref<128x128xf32, #tpu.memory_space<vmem_shared>>) target_semaphore(%run_scoped3A : memref<!tpu.dma_semaphore, #tpu.memory_space<semaphore_mem>>)
      %dma_wait3A = arith.constant 0 : i32
      %dma_wait3A_90 = tpu.memref_slice %arg10[%add3A_9, %dma_wait3A] : memref<10000x128xf32, #tpu.memory_space<vmem_shared>> -> memref<128x128xf32, #tpu.memory_space<vmem_shared>>
      %dma_wait3A_91 = arith.constant 0 : i32
      %dma_wait3A_92 = tpu.memref_slice %arg10[%add3A_9, %dma_wait3A_91] : memref<10000x128xf32, #tpu.memory_space<vmem_shared>> -> memref<128x128xf32, #tpu.memory_space<vmem_shared>>
      tpu.wait_dma2 semaphore(%run_scoped3A : memref<!tpu.dma_semaphore, #tpu.memory_space<semaphore_mem>>) src(%arg6 : memref<128x128xf32, #tpu.memory_space<vmem>>) dst(%dma_wait3A_92 : memref<128x128xf32, #tpu.memory_space<vmem_shared>>)
      tpu.yield
    }) : () -> ()
    %mul3A_10 = arith.constant 624 : i32
    %mul3A_11 = arith.muli %arg1, %mul3A_10 : i32
    %add3A_12 = arith.constant 128 : i32
    %add3A_13 = arith.addi %mul3A_11, %add3A_12 : i32
    "tpu.region"() ({
      %run_scoped3A = tpu.sem_alloc : memref<!tpu.dma_semaphore, #tpu.memory_space<semaphore_mem>>
      %dma_start3A_86 = arith.constant 0 : i32
      %dma_start3A_87 = tpu.memref_slice %arg10[%add3A_13, %dma_start3A_86] : memref<10000x128xf32, #tpu.memory_space<vmem_shared>> -> memref<128x128xf32, #tpu.memory_space<vmem_shared>>
      %dma_start3A_88 = arith.constant 0 : i32
      %dma_start3A_89 = tpu.memref_slice %arg10[%add3A_13, %dma_start3A_88] : memref<10000x128xf32, #tpu.memory_space<vmem_shared>> -> memref<128x128xf32, #tpu.memory_space<vmem_shared>>
      tpu.enqueue_dma source(%arg6 : memref<128x128xf32, #tpu.memory_space<vmem>>) target(%dma_start3A_89 : memref<128x128xf32, #tpu.memory_space<vmem_shared>>) target_semaphore(%run_scoped3A : memref<!tpu.dma_semaphore, #tpu.memory_space<semaphore_mem>>)
      %dma_wait3A = arith.constant 0 : i32
      %dma_wait3A_90 = tpu.memref_slice %arg10[%add3A_13, %dma_wait3A] : memref<10000x128xf32, #tpu.memory_space<vmem_shared>> -> memref<128x128xf32, #tpu.memory_space<vmem_shared>>
      %dma_wait3A_91 = arith.constant 0 : i32
      %dma_wait3A_92 = tpu.memref_slice %arg10[%add3A_13, %dma_wait3A_91] : memref<10000x128xf32, #tpu.memory_space<vmem_shared>> -> memref<128x128xf32, #tpu.memory_space<vmem_shared>>
      tpu.wait_dma2 semaphore(%run_scoped3A : memref<!tpu.dma_semaphore, #tpu.memory_space<semaphore_mem>>) src(%arg6 : memref<128x128xf32, #tpu.memory_space<vmem>>) dst(%dma_wait3A_92 : memref<128x128xf32, #tpu.memory_space<vmem_shared>>)
      tpu.yield
    }) : () -> ()
    %mul3A_14 = arith.constant 624 : i32
    %mul3A_15 = arith.muli %arg1, %mul3A_14 : i32
    %add3A_16 = arith.constant 256 : i32
    %add3A_17 = arith.addi %mul3A_15, %add3A_16 : i32
    "tpu.region"() ({
      %run_scoped3A = tpu.sem_alloc : memref<!tpu.dma_semaphore, #tpu.memory_space<semaphore_mem>>
      %dma_start3A_86 = arith.constant 0 : i32
      %dma_start3A_87 = tpu.memref_slice %arg10[%add3A_17, %dma_start3A_86] : memref<10000x128xf32, #tpu.memory_space<vmem_shared>> -> memref<128x128xf32, #tpu.memory_space<vmem_shared>>
      %dma_start3A_88 = arith.constant 0 : i32
      %dma_start3A_89 = tpu.memref_slice %arg10[%add3A_17, %dma_start3A_88] : memref<10000x128xf32, #tpu.memory_space<vmem_shared>> -> memref<128x128xf32, #tpu.memory_space<vmem_shared>>
      tpu.enqueue_dma source(%arg6 : memref<128x128xf32, #tpu.memory_space<vmem>>) target(%dma_start3A_89 : memref<128x128xf32, #tpu.memory_space<vmem_shared>>) target_semaphore(%run_scoped3A : memref<!tpu.dma_semaphore, #tpu.memory_space<semaphore_mem>>)
      %dma_wait3A = arith.constant 0 : i32
      %dma_wait3A_90 = tpu.memref_slice %arg10[%add3A_17, %dma_wait3A] : memref<10000x128xf32, #tpu.memory_space<vmem_shared>> -> memref<128x128xf32, #tpu.memory_space<vmem_shared>>
      %dma_wait3A_91 = arith.constant 0 : i32
      %dma_wait3A_92 = tpu.memref_slice %arg10[%add3A_17, %dma_wait3A_91] : memref<10000x128xf32, #tpu.memory_space<vmem_shared>> -> memref<128x128xf32, #tpu.memory_space<vmem_shared>>
      tpu.wait_dma2 semaphore(%run_scoped3A : memref<!tpu.dma_semaphore, #tpu.memory_space<semaphore_mem>>) src(%arg6 : memref<128x128xf32, #tpu.memory_space<vmem>>) dst(%dma_wait3A_92 : memref<128x128xf32, #tpu.memory_space<vmem_shared>>)
      tpu.yield
    }) : () -> ()
    %mul3A_18 = arith.constant 624 : i32
    %mul3A_19 = arith.muli %arg1, %mul3A_18 : i32
    %add3A_20 = arith.constant 384 : i32
    %add3A_21 = arith.addi %mul3A_19, %add3A_20 : i32
    "tpu.region"() ({
      %run_scoped3A = tpu.sem_alloc : memref<!tpu.dma_semaphore, #tpu.memory_space<semaphore_mem>>
      %dma_start3A_86 = arith.constant 0 : i32
      %dma_start3A_87 = tpu.memref_slice %arg10[%add3A_21, %dma_start3A_86] : memref<10000x128xf32, #tpu.memory_space<vmem_shared>> -> memref<128x128xf32, #tpu.memory_space<vmem_shared>>
      %dma_start3A_88 = arith.constant 0 : i32
      %dma_start3A_89 = tpu.memref_slice %arg10[%add3A_21, %dma_start3A_88] : memref<10000x128xf32, #tpu.memory_space<vmem_shared>> -> memref<128x128xf32, #tpu.memory_space<vmem_shared>>
      tpu.enqueue_dma source(%arg6 : memref<128x128xf32, #tpu.memory_space<vmem>>) target(%dma_start3A_89 : memref<128x128xf32, #tpu.memory_space<vmem_shared>>) target_semaphore(%run_scoped3A : memref<!tpu.dma_semaphore, #tpu.memory_space<semaphore_mem>>)
      %dma_wait3A = arith.constant 0 : i32
      %dma_wait3A_90 = tpu.memref_slice %arg10[%add3A_21, %dma_wait3A] : memref<10000x128xf32, #tpu.memory_space<vmem_shared>> -> memref<128x128xf32, #tpu.memory_space<vmem_shared>>
      %dma_wait3A_91 = arith.constant 0 : i32
      %dma_wait3A_92 = tpu.memref_slice %arg10[%add3A_21, %dma_wait3A_91] : memref<10000x128xf32, #tpu.memory_space<vmem_shared>> -> memref<128x128xf32, #tpu.memory_space<vmem_shared>>
      tpu.wait_dma2 semaphore(%run_scoped3A : memref<!tpu.dma_semaphore, #tpu.memory_space<semaphore_mem>>) src(%arg6 : memref<128x128xf32, #tpu.memory_space<vmem>>) dst(%dma_wait3A_92 : memref<128x128xf32, #tpu.memory_space<vmem_shared>>)
      tpu.yield
    }) : () -> ()
    %mul3A_22 = arith.constant 624 : i32
    %mul3A_23 = arith.muli %arg1, %mul3A_22 : i32
    %add3A_24 = arith.constant 512 : i32
    %add3A_25 = arith.addi %mul3A_23, %add3A_24 : i32
    "tpu.region"() ({
      %run_scoped3A = tpu.sem_alloc : memref<!tpu.dma_semaphore, #tpu.memory_space<semaphore_mem>>
      %dma_start3A_86 = arith.constant 0 : i32
      %dma_start3A_87 = arith.constant 0 : i32
      %dma_start3A_88 = tpu.memref_slice %arg6[%dma_start3A_86, %dma_start3A_87] : memref<128x128xf32, #tpu.memory_space<vmem>> -> memref<112x128xf32, #tpu.memory_space<vmem>>
      %dma_start3A_89 = arith.constant 0 : i32
      %dma_start3A_90 = tpu.memref_slice %arg10[%add3A_25, %dma_start3A_89] : memref<10000x128xf32, #tpu.memory_space<vmem_shared>> -> memref<112x128xf32, #tpu.memory_space<vmem_shared>>
      %dma_start3A_91 = arith.constant 0 : i32
      %dma_start3A_92 = tpu.memref_slice %arg10[%add3A_25, %dma_start3A_91] : memref<10000x128xf32, #tpu.memory_space<vmem_shared>> -> memref<112x128xf32, #tpu.memory_space<vmem_shared>>
      %dma_start3A_93 = arith.constant 0 : i32
      %dma_start3A_94 = arith.constant 0 : i32
      %dma_start3A_95 = tpu.memref_slice %arg6[%dma_start3A_93, %dma_start3A_94] : memref<128x128xf32, #tpu.memory_space<vmem>> -> memref<112x128xf32, #tpu.memory_space<vmem>>
      tpu.enqueue_dma source(%dma_start3A_95 : memref<112x128xf32, #tpu.memory_space<vmem>>) target(%dma_start3A_92 : memref<112x128xf32, #tpu.memory_space<vmem_shared>>) target_semaphore(%run_scoped3A : memref<!tpu.dma_semaphore, #tpu.memory_space<semaphore_mem>>)
      %dma_wait3A = arith.constant 0 : i32
      %dma_wait3A_96 = arith.constant 0 : i32
      %dma_wait3A_97 = tpu.memref_slice %arg6[%dma_wait3A, %dma_wait3A_96] : memref<128x128xf32, #tpu.memory_space<vmem>> -> memref<112x128xf32, #tpu.memory_space<vmem>>
      %dma_wait3A_98 = arith.constant 0 : i32
      %dma_wait3A_99 = tpu.memref_slice %arg10[%add3A_25, %dma_wait3A_98] : memref<10000x128xf32, #tpu.memory_space<vmem_shared>> -> memref<112x128xf32, #tpu.memory_space<vmem_shared>>
      %dma_wait3A_100 = arith.constant 0 : i32
      %dma_wait3A_101 = tpu.memref_slice %arg10[%add3A_25, %dma_wait3A_100] : memref<10000x128xf32, #tpu.memory_space<vmem_shared>> -> memref<112x128xf32, #tpu.memory_space<vmem_shared>>
      %dma_wait3A_102 = arith.constant 0 : i32
      %dma_wait3A_103 = arith.constant 0 : i32
      %dma_wait3A_104 = tpu.memref_slice %arg6[%dma_wait3A_102, %dma_wait3A_103] : memref<128x128xf32, #tpu.memory_space<vmem>> -> memref<112x128xf32, #tpu.memory_space<vmem>>
      tpu.wait_dma2 semaphore(%run_scoped3A : memref<!tpu.dma_semaphore, #tpu.memory_space<semaphore_mem>>) src(%dma_wait3A_104 : memref<112x128xf32, #tpu.memory_space<vmem>>) dst(%dma_wait3A_101 : memref<112x128xf32, #tpu.memory_space<vmem_shared>>)
      tpu.yield
    }) : () -> ()
    %eq3A = arith.constant 15 : i32
    %eq3A_26 = arith.cmpi eq, %arg1, %eq3A : i32
    %convert_element_type3A = arith.extui %eq3A_26 : i1 to i32
    %cond3A = arith.constant 0 : i32
    %cond3A_27 = arith.cmpi ne, %convert_element_type3A, %cond3A : i32
    scf.if %cond3A_27 {
      "tpu.region"() ({
        %run_scoped3A = tpu.sem_alloc : memref<!tpu.dma_semaphore, #tpu.memory_space<semaphore_mem>>
        %dma_start3A_86 = arith.constant 0 : i32
        %dma_start3A_87 = arith.constant 0 : i32
        %dma_start3A_88 = tpu.memref_slice %arg6[%dma_start3A_86, %dma_start3A_87] : memref<128x128xf32, #tpu.memory_space<vmem>> -> memref<16x128xf32, #tpu.memory_space<vmem>>
        %dma_start3A_89 = arith.constant 9984 : i32
        %dma_start3A_90 = arith.constant 0 : i32
        %dma_start3A_91 = tpu.memref_slice %arg10[%dma_start3A_89, %dma_start3A_90] : memref<10000x128xf32, #tpu.memory_space<vmem_shared>> -> memref<16x128xf32, #tpu.memory_space<vmem_shared>>
        %dma_start3A_92 = arith.constant 9984 : i32
        %dma_start3A_93 = arith.constant 0 : i32
        %dma_start3A_94 = tpu.memref_slice %arg10[%dma_start3A_92, %dma_start3A_93] : memref<10000x128xf32, #tpu.memory_space<vmem_shared>> -> memref<16x128xf32, #tpu.memory_space<vmem_shared>>
        %dma_start3A_95 = arith.constant 0 : i32
        %dma_start3A_96 = arith.constant 0 : i32
        %dma_start3A_97 = tpu.memref_slice %arg6[%dma_start3A_95, %dma_start3A_96] : memref<128x128xf32, #tpu.memory_space<vmem>> -> memref<16x128xf32, #tpu.memory_space<vmem>>
        tpu.enqueue_dma source(%dma_start3A_97 : memref<16x128xf32, #tpu.memory_space<vmem>>) target(%dma_start3A_94 : memref<16x128xf32, #tpu.memory_space<vmem_shared>>) target_semaphore(%run_scoped3A : memref<!tpu.dma_semaphore, #tpu.memory_space<semaphore_mem>>)
        %dma_wait3A = arith.constant 0 : i32
        %dma_wait3A_98 = arith.constant 0 : i32
        %dma_wait3A_99 = tpu.memref_slice %arg6[%dma_wait3A, %dma_wait3A_98] : memref<128x128xf32, #tpu.memory_space<vmem>> -> memref<16x128xf32, #tpu.memory_space<vmem>>
        %dma_wait3A_100 = arith.constant 9984 : i32
        %dma_wait3A_101 = arith.constant 0 : i32
        %dma_wait3A_102 = tpu.memref_slice %arg10[%dma_wait3A_100, %dma_wait3A_101] : memref<10000x128xf32, #tpu.memory_space<vmem_shared>> -> memref<16x128xf32, #tpu.memory_space<vmem_shared>>
        %dma_wait3A_103 = arith.constant 9984 : i32
        %dma_wait3A_104 = arith.constant 0 : i32
        %dma_wait3A_105 = tpu.memref_slice %arg10[%dma_wait3A_103, %dma_wait3A_104] : memref<10000x128xf32, #tpu.memory_space<vmem_shared>> -> memref<16x128xf32, #tpu.memory_space<vmem_shared>>
        %dma_wait3A_106 = arith.constant 0 : i32
        %dma_wait3A_107 = arith.constant 0 : i32
        %dma_wait3A_108 = tpu.memref_slice %arg6[%dma_wait3A_106, %dma_wait3A_107] : memref<128x128xf32, #tpu.memory_space<vmem>> -> memref<16x128xf32, #tpu.memory_space<vmem>>
        tpu.wait_dma2 semaphore(%run_scoped3A : memref<!tpu.dma_semaphore, #tpu.memory_space<semaphore_mem>>) src(%dma_wait3A_108 : memref<16x128xf32, #tpu.memory_space<vmem>>) dst(%dma_wait3A_105 : memref<16x128xf32, #tpu.memory_space<vmem_shared>>)
        tpu.yield
      }) : () -> ()
    } else {
    }
    %barrier3A = arith.constant 0 : index
    tpu.barrier barrier_id(%barrier3A)
    %lt3A = arith.constant 31 : i32
    %lt3A_28 = arith.cmpi slt, %add3A, %lt3A : i32
    %convert_element_type3A_29 = arith.extui %lt3A_28 : i1 to i32
    %cond3A_30 = arith.constant 0 : i32
    %cond3A_31 = arith.cmpi ne, %convert_element_type3A_29, %cond3A_30 : i32
    scf.if %cond3A_31 {
      %mul3A_86 = arith.constant 80 : i32
      %mul3A_87 = arith.muli %add3A, %mul3A_86 : i32
      "tpu.region"() ({
        %run_scoped3A = tpu.sem_alloc : memref<!tpu.dma_semaphore, #tpu.memory_space<semaphore_mem>>
        %dma_start3A_88 = arith.constant 0 : i32
        %dma_start3A_89 = tpu.memref_slice %arg3[%mul3A_87, %dma_start3A_88] : memref<2500x128xi32, #tpu.memory_space<hbm>> -> memref<80x128xi32, #tpu.memory_space<hbm>>
        %dma_start3A_90 = arith.constant 0 : i32
        %dma_start3A_91 = tpu.memref_slice %arg3[%mul3A_87, %dma_start3A_90] : memref<2500x128xi32, #tpu.memory_space<hbm>> -> memref<80x128xi32, #tpu.memory_space<hbm>>
        tpu.enqueue_dma source(%dma_start3A_91 : memref<80x128xi32, #tpu.memory_space<hbm>>) target(%arg5 : memref<80x128xi32, #tpu.memory_space<vmem>>) target_semaphore(%run_scoped3A : memref<!tpu.dma_semaphore, #tpu.memory_space<semaphore_mem>>)
        %dma_wait3A = arith.constant 0 : i32
        %dma_wait3A_92 = tpu.memref_slice %arg3[%mul3A_87, %dma_wait3A] : memref<2500x128xi32, #tpu.memory_space<hbm>> -> memref<80x128xi32, #tpu.memory_space<hbm>>
        %dma_wait3A_93 = arith.constant 0 : i32
        %dma_wait3A_94 = tpu.memref_slice %arg3[%mul3A_87, %dma_wait3A_93] : memref<2500x128xi32, #tpu.memory_space<hbm>> -> memref<80x128xi32, #tpu.memory_space<hbm>>
        tpu.wait_dma2 semaphore(%run_scoped3A : memref<!tpu.dma_semaphore, #tpu.memory_space<semaphore_mem>>) src(%dma_wait3A_94 : memref<80x128xi32, #tpu.memory_space<hbm>>) dst(%arg5 : memref<80x128xi32, #tpu.memory_space<vmem>>)
        tpu.yield
      }) : () -> ()
    } else {
    }
    %eq3A_32 = arith.constant 31 : i32
    %eq3A_33 = arith.cmpi eq, %add3A, %eq3A_32 : i32
    %convert_element_type3A_34 = arith.extui %eq3A_33 : i1 to i32
    %cond3A_35 = arith.constant 0 : i32
    %cond3A_36 = arith.cmpi ne, %convert_element_type3A_34, %cond3A_35 : i32
    scf.if %cond3A_36 {
      "tpu.region"() ({
        %run_scoped3A = tpu.sem_alloc : memref<!tpu.dma_semaphore, #tpu.memory_space<semaphore_mem>>
        %dma_start3A_86 = arith.constant 0 : i32
        %dma_start3A_87 = arith.constant 0 : i32
        %dma_start3A_88 = tpu.memref_slice %arg5[%dma_start3A_86, %dma_start3A_87] : memref<80x128xi32, #tpu.memory_space<vmem>> -> memref<20x128xi32, #tpu.memory_space<vmem>>
        %dma_start3A_89 = arith.constant 2480 : i32
        %dma_start3A_90 = arith.constant 0 : i32
        %dma_start3A_91 = tpu.memref_slice %arg3[%dma_start3A_89, %dma_start3A_90] : memref<2500x128xi32, #tpu.memory_space<hbm>> -> memref<20x128xi32, #tpu.memory_space<hbm>>
        %dma_start3A_92 = arith.constant 0 : i32
        %dma_start3A_93 = arith.constant 0 : i32
        %dma_start3A_94 = tpu.memref_slice %arg5[%dma_start3A_92, %dma_start3A_93] : memref<80x128xi32, #tpu.memory_space<vmem>> -> memref<20x128xi32, #tpu.memory_space<vmem>>
        %dma_start3A_95 = arith.constant 2480 : i32
        %dma_start3A_96 = arith.constant 0 : i32
        %dma_start3A_97 = tpu.memref_slice %arg3[%dma_start3A_95, %dma_start3A_96] : memref<2500x128xi32, #tpu.memory_space<hbm>> -> memref<20x128xi32, #tpu.memory_space<hbm>>
        tpu.enqueue_dma source(%dma_start3A_97 : memref<20x128xi32, #tpu.memory_space<hbm>>) target(%dma_start3A_94 : memref<20x128xi32, #tpu.memory_space<vmem>>) target_semaphore(%run_scoped3A : memref<!tpu.dma_semaphore, #tpu.memory_space<semaphore_mem>>)
        %dma_wait3A = arith.constant 0 : i32
        %dma_wait3A_98 = arith.constant 0 : i32
        %dma_wait3A_99 = tpu.memref_slice %arg5[%dma_wait3A, %dma_wait3A_98] : memref<80x128xi32, #tpu.memory_space<vmem>> -> memref<20x128xi32, #tpu.memory_space<vmem>>
        %dma_wait3A_100 = arith.constant 2480 : i32
        %dma_wait3A_101 = arith.constant 0 : i32
        %dma_wait3A_102 = tpu.memref_slice %arg3[%dma_wait3A_100, %dma_wait3A_101] : memref<2500x128xi32, #tpu.memory_space<hbm>> -> memref<20x128xi32, #tpu.memory_space<hbm>>
        %dma_wait3A_103 = arith.constant 0 : i32
        %dma_wait3A_104 = arith.constant 0 : i32
        %dma_wait3A_105 = tpu.memref_slice %arg5[%dma_wait3A_103, %dma_wait3A_104] : memref<80x128xi32, #tpu.memory_space<vmem>> -> memref<20x128xi32, #tpu.memory_space<vmem>>
        %dma_wait3A_106 = arith.constant 2480 : i32
        %dma_wait3A_107 = arith.constant 0 : i32
        %dma_wait3A_108 = tpu.memref_slice %arg3[%dma_wait3A_106, %dma_wait3A_107] : memref<2500x128xi32, #tpu.memory_space<hbm>> -> memref<20x128xi32, #tpu.memory_space<hbm>>
        tpu.wait_dma2 semaphore(%run_scoped3A : memref<!tpu.dma_semaphore, #tpu.memory_space<semaphore_mem>>) src(%dma_wait3A_108 : memref<20x128xi32, #tpu.memory_space<hbm>>) dst(%dma_wait3A_105 : memref<20x128xi32, #tpu.memory_space<vmem>>)
        tpu.yield
      }) : () -> ()
    } else {
    }
    %eq3A_37 = arith.constant 31 : i32
    %eq3A_38 = arith.cmpi eq, %add3A, %eq3A_37 : i32
    %jit3A = arith.constant 20 : i32
    %jit3A_39 = arith.constant 80 : i32
    %select_n3A = arith.select %eq3A_38, %jit3A, %jit3A_39 : i32
    %mul3A_40 = arith.constant 10240 : i32
    %mul3A_41 = arith.muli %add3A, %mul3A_40 : i32
    %add3A_42 = arith.constant 0 : i32
    %add3A_43 = arith.addi %mul3A_41, %add3A_42 : i32
    %dma_start3A = arith.constant 0 : i32
    %dma_start3A_44 = tpu.memref_slice %arg2[%add3A_43, %dma_start3A] : memref<320000x128xf32, #tpu.memory_space<hbm>> -> memref<128x128xf32, #tpu.memory_space<hbm>>
    %dma_start3A_45 = arith.constant 0 : i32
    %dma_start3A_46 = tpu.memref_slice %arg2[%add3A_43, %dma_start3A_45] : memref<320000x128xf32, #tpu.memory_space<hbm>> -> memref<128x128xf32, #tpu.memory_space<hbm>>
    tpu.enqueue_dma source(%dma_start3A_46 : memref<128x128xf32, #tpu.memory_space<hbm>>) target(%arg6 : memref<128x128xf32, #tpu.memory_space<vmem>>) target_semaphore(%arg8 : memref<!tpu.dma_semaphore, #tpu.memory_space<semaphore_mem>>)
    %add3A_47 = arith.constant 1 : i32
    %add3A_48 = arith.addi %select_n3A, %add3A_47 : i32
    %jit3A_49 = arith.constant 2 : i32
    %div3A = arith.divsi %add3A_48, %jit3A_49 : i32
    %sign3A = arith.constant 0 : i32
    %sign3A_50 = arith.cmpi sgt, %add3A_48, %sign3A : i32
    %sign3A_51 = arith.extui %sign3A_50 : i1 to i32
    %sign3A_52 = arith.constant 0 : i32
    %sign3A_53 = arith.cmpi slt, %add3A_48, %sign3A_52 : i32
    %sign3A_54 = arith.extui %sign3A_53 : i1 to i32
    %sign3A_55 = arith.subi %sign3A_51, %sign3A_54 : i32
    %sign3A_56 = arith.constant 0 : i32
    %sign3A_57 = arith.cmpi sgt, %jit3A_49, %sign3A_56 : i32
    %sign3A_58 = arith.extui %sign3A_57 : i1 to i32
    %sign3A_59 = arith.constant 0 : i32
    %sign3A_60 = arith.cmpi slt, %jit3A_49, %sign3A_59 : i32
    %sign3A_61 = arith.extui %sign3A_60 : i1 to i32
    %sign3A_62 = arith.subi %sign3A_58, %sign3A_61 : i32
    %ne3A = arith.cmpi ne, %sign3A_55, %sign3A_62 : i32
    %rem3A = arith.remsi %add3A_48, %jit3A_49 : i32
    %ne3A_63 = arith.constant 0 : i32
    %ne3A_64 = arith.cmpi ne, %rem3A, %ne3A_63 : i32
    %and3A = arith.andi %ne3A, %ne3A_64 : i1
    %sub3A = arith.constant 1 : i32
    %sub3A_65 = arith.subi %div3A, %sub3A : i32
    %select_n3A_66 = arith.select %and3A, %sub3A_65, %div3A : i32
    %while3A = arith.constant 0 : i32
    %while3A_67 = arith.constant 0 : i32
    %while3A_68 = arith.subi %select_n3A_66, %while3A_67 : i32
    %while3A_69 = arith.addi %while3A_67, %while3A_68 : i32
    %while3A_70 = arith.constant 1 : i32
    %while3A_71 = arith.divsi %while3A_68, %while3A_70 : i32
    %while3A_72 = arith.muli %while3A_71, %while3A_70 : i32
    %while3A_73 = arith.addi %while3A_67, %while3A_72 : i32
    %while3A_74 = arith.constant 1 : i32
    scf.for %while3A_86 = %while3A_67 to %while3A_73 step %while3A_74  : i32 {
      %mul3A_87 = arith.constant 2 : i32
      %mul3A_88 = arith.muli %mul3A_87, %while3A_86 : i32
      %add3A_89 = arith.constant 1 : i32
      %add3A_90 = arith.addi %mul3A_88, %add3A_89 : i32
      %lt3A_91 = arith.cmpi slt, %add3A_90, %select_n3A : i32
      %convert_element_type3A_92 = arith.extui %lt3A_91 : i1 to i32
      %cond3A_93 = arith.constant 0 : i32
      %cond3A_94 = arith.cmpi ne, %convert_element_type3A_92, %cond3A_93 : i32
      scf.if %cond3A_94 {
        %mul3A_111 = arith.constant 128 : i32
        %mul3A_112 = arith.muli %add3A_90, %mul3A_111 : i32
        %add3A_113 = arith.addi %mul3A_41, %mul3A_112 : i32
        %dma_start3A_114 = arith.constant 0 : i32
        %dma_start3A_115 = tpu.memref_slice %arg2[%add3A_113, %dma_start3A_114] : memref<320000x128xf32, #tpu.memory_space<hbm>> -> memref<128x128xf32, #tpu.memory_space<hbm>>
        %dma_start3A_116 = arith.constant 0 : i32
        %dma_start3A_117 = tpu.memref_slice %arg2[%add3A_113, %dma_start3A_116] : memref<320000x128xf32, #tpu.memory_space<hbm>> -> memref<128x128xf32, #tpu.memory_space<hbm>>
        tpu.enqueue_dma source(%dma_start3A_117 : memref<128x128xf32, #tpu.memory_space<hbm>>) target(%arg7 : memref<128x128xf32, #tpu.memory_space<vmem>>) target_semaphore(%arg9 : memref<!tpu.dma_semaphore, #tpu.memory_space<semaphore_mem>>)
      } else {
      }
      %mul3A_95 = arith.constant 128 : i32
      %mul3A_96 = arith.muli %mul3A_88, %mul3A_95 : i32
      %add3A_97 = arith.addi %mul3A_41, %mul3A_96 : i32
      %dma_wait3A = arith.constant 0 : i32
      %dma_wait3A_98 = tpu.memref_slice %arg2[%add3A_97, %dma_wait3A] : memref<320000x128xf32, #tpu.memory_space<hbm>> -> memref<128x128xf32, #tpu.memory_space<hbm>>
      %dma_wait3A_99 = arith.constant 0 : i32
      %dma_wait3A_100 = tpu.memref_slice %arg2[%add3A_97, %dma_wait3A_99] : memref<320000x128xf32, #tpu.memory_space<hbm>> -> memref<128x128xf32, #tpu.memory_space<hbm>>
      tpu.wait_dma2 semaphore(%arg8 : memref<!tpu.dma_semaphore, #tpu.memory_space<semaphore_mem>>) src(%dma_wait3A_100 : memref<128x128xf32, #tpu.memory_space<hbm>>) dst(%arg6 : memref<128x128xf32, #tpu.memory_space<vmem>>)
      "tpu.region"() ({
        %run_scoped3A = tpu.sem_alloc : memref<!tpu.dma_semaphore, #tpu.memory_space<semaphore_mem>>
        %dma_start3A_111 = arith.constant 0 : i32
        %dma_start3A_112 = tpu.memref_slice %arg5[%mul3A_88, %dma_start3A_111] : memref<80x128xi32, #tpu.memory_space<vmem>> -> memref<1x128xi32, #tpu.memory_space<vmem>>
        %dma_start3A_113 = tpu.memref_squeeze %dma_start3A_112 : memref<1x128xi32, #tpu.memory_space<vmem>> -> memref<128xi32, #tpu.memory_space<vmem>>
        %dma_start3A_114 = arith.constant 0 : i32
        %dma_start3A_115 = arith.constant 0 : i32
        %dma_start3A_116 = tpu.memref_slice %arg10[%dma_start3A_114, %dma_start3A_115] : memref<10000x128xf32, #tpu.memory_space<vmem_shared>> -> memref<10000x128xf32, #tpu.memory_space<vmem_shared>>
        tpu.enqueue_indirect_dma source(%arg6 : memref<128x128xf32, #tpu.memory_space<vmem>>) target(%dma_start3A_116 : memref<10000x128xf32, #tpu.memory_space<vmem_shared>>) offsets(%dma_start3A_113 : memref<128xi32, #tpu.memory_space<vmem>>) semaphore(%run_scoped3A : memref<!tpu.dma_semaphore, #tpu.memory_space<semaphore_mem>>) {add = true}
        %dma_wait3A_117 = arith.constant 0 : i32
        %dma_wait3A_118 = tpu.memref_slice %arg5[%mul3A_88, %dma_wait3A_117] : memref<80x128xi32, #tpu.memory_space<vmem>> -> memref<1x128xi32, #tpu.memory_space<vmem>>
        %dma_wait3A_119 = tpu.memref_squeeze %dma_wait3A_118 : memref<1x128xi32, #tpu.memory_space<vmem>> -> memref<128xi32, #tpu.memory_space<vmem>>
        %dma_wait3A_120 = arith.constant 0 : i32
        %dma_wait3A_121 = arith.constant 0 : i32
        %dma_wait3A_122 = tpu.memref_slice %arg10[%dma_wait3A_120, %dma_wait3A_121] : memref<10000x128xf32, #tpu.memory_space<vmem_shared>> -> memref<10000x128xf32, #tpu.memory_space<vmem_shared>>
        tpu.wait_indirect_dma semaphore(%run_scoped3A : memref<!tpu.dma_semaphore, #tpu.memory_space<semaphore_mem>>) src(%arg6 : memref<128x128xf32, #tpu.memory_space<vmem>>) dst(%dma_wait3A_122 : memref<10000x128xf32, #tpu.memory_space<vmem_shared>>)
        tpu.yield
      }) : () -> ()
      %add3A_101 = arith.constant 1 : i32
      %add3A_102 = arith.addi %add3A_90, %add3A_101 : i32
      %lt3A_103 = arith.cmpi slt, %add3A_102, %select_n3A : i32
      %convert_element_type3A_104 = arith.extui %lt3A_103 : i1 to i32
      %cond3A_105 = arith.constant 0 : i32
      %cond3A_106 = arith.cmpi ne, %convert_element_type3A_104, %cond3A_105 : i32
      scf.if %cond3A_106 {
        %add3A_111 = arith.constant 1 : i32
        %add3A_112 = arith.addi %add3A_90, %add3A_111 : i32
        %mul3A_113 = arith.constant 128 : i32
        %mul3A_114 = arith.muli %add3A_112, %mul3A_113 : i32
        %add3A_115 = arith.addi %mul3A_41, %mul3A_114 : i32
        %dma_start3A_116 = arith.constant 0 : i32
        %dma_start3A_117 = tpu.memref_slice %arg2[%add3A_115, %dma_start3A_116] : memref<320000x128xf32, #tpu.memory_space<hbm>> -> memref<128x128xf32, #tpu.memory_space<hbm>>
        %dma_start3A_118 = arith.constant 0 : i32
        %dma_start3A_119 = tpu.memref_slice %arg2[%add3A_115, %dma_start3A_118] : memref<320000x128xf32, #tpu.memory_space<hbm>> -> memref<128x128xf32, #tpu.memory_space<hbm>>
        tpu.enqueue_dma source(%dma_start3A_119 : memref<128x128xf32, #tpu.memory_space<hbm>>) target(%arg6 : memref<128x128xf32, #tpu.memory_space<vmem>>) target_semaphore(%arg8 : memref<!tpu.dma_semaphore, #tpu.memory_space<semaphore_mem>>)
      } else {
      }
      %lt3A_107 = arith.cmpi slt, %add3A_90, %select_n3A : i32
      %convert_element_type3A_108 = arith.extui %lt3A_107 : i1 to i32
      %cond3A_109 = arith.constant 0 : i32
      %cond3A_110 = arith.cmpi ne, %convert_element_type3A_108, %cond3A_109 : i32
      scf.if %cond3A_110 {
        %mul3A_111 = arith.constant 128 : i32
        %mul3A_112 = arith.muli %add3A_90, %mul3A_111 : i32
        %add3A_113 = arith.addi %mul3A_41, %mul3A_112 : i32
        %dma_wait3A_114 = arith.constant 0 : i32
        %dma_wait3A_115 = tpu.memref_slice %arg2[%add3A_113, %dma_wait3A_114] : memref<320000x128xf32, #tpu.memory_space<hbm>> -> memref<128x128xf32, #tpu.memory_space<hbm>>
        %dma_wait3A_116 = arith.constant 0 : i32
        %dma_wait3A_117 = tpu.memref_slice %arg2[%add3A_113, %dma_wait3A_116] : memref<320000x128xf32, #tpu.memory_space<hbm>> -> memref<128x128xf32, #tpu.memory_space<hbm>>
        tpu.wait_dma2 semaphore(%arg9 : memref<!tpu.dma_semaphore, #tpu.memory_space<semaphore_mem>>) src(%dma_wait3A_117 : memref<128x128xf32, #tpu.memory_space<hbm>>) dst(%arg7 : memref<128x128xf32, #tpu.memory_space<vmem>>)
        "tpu.region"() ({
          %run_scoped3A = tpu.sem_alloc : memref<!tpu.dma_semaphore, #tpu.memory_space<semaphore_mem>>
          %dma_start3A_118 = arith.constant 0 : i32
          %dma_start3A_119 = tpu.memref_slice %arg5[%add3A_90, %dma_start3A_118] : memref<80x128xi32, #tpu.memory_space<vmem>> -> memref<1x128xi32, #tpu.memory_space<vmem>>
          %dma_start3A_120 = tpu.memref_squeeze %dma_start3A_119 : memref<1x128xi32, #tpu.memory_space<vmem>> -> memref<128xi32, #tpu.memory_space<vmem>>
          %dma_start3A_121 = arith.constant 0 : i32
          %dma_start3A_122 = arith.constant 0 : i32
          %dma_start3A_123 = tpu.memref_slice %arg10[%dma_start3A_121, %dma_start3A_122] : memref<10000x128xf32, #tpu.memory_space<vmem_shared>> -> memref<10000x128xf32, #tpu.memory_space<vmem_shared>>
          tpu.enqueue_indirect_dma source(%arg7 : memref<128x128xf32, #tpu.memory_space<vmem>>) target(%dma_start3A_123 : memref<10000x128xf32, #tpu.memory_space<vmem_shared>>) offsets(%dma_start3A_120 : memref<128xi32, #tpu.memory_space<vmem>>) semaphore(%run_scoped3A : memref<!tpu.dma_semaphore, #tpu.memory_space<semaphore_mem>>) {add = true}
          %dma_wait3A_124 = arith.constant 0 : i32
          %dma_wait3A_125 = tpu.memref_slice %arg5[%add3A_90, %dma_wait3A_124] : memref<80x128xi32, #tpu.memory_space<vmem>> -> memref<1x128xi32, #tpu.memory_space<vmem>>
          %dma_wait3A_126 = tpu.memref_squeeze %dma_wait3A_125 : memref<1x128xi32, #tpu.memory_space<vmem>> -> memref<128xi32, #tpu.memory_space<vmem>>
          %dma_wait3A_127 = arith.constant 0 : i32
          %dma_wait3A_128 = arith.constant 0 : i32
          %dma_wait3A_129 = tpu.memref_slice %arg10[%dma_wait3A_127, %dma_wait3A_128] : memref<10000x128xf32, #tpu.memory_space<vmem_shared>> -> memref<10000x128xf32, #tpu.memory_space<vmem_shared>>
          tpu.wait_indirect_dma semaphore(%run_scoped3A : memref<!tpu.dma_semaphore, #tpu.memory_space<semaphore_mem>>) src(%arg7 : memref<128x128xf32, #tpu.memory_space<vmem>>) dst(%dma_wait3A_129 : memref<10000x128xf32, #tpu.memory_space<vmem_shared>>)
          tpu.yield
        }) : () -> ()
      } else {
      }
    }
    %while3A_75 = arith.constant 1 : i32
    scf.for %while3A_86 = %while3A_73 to %while3A_69 step %while3A_75  : i32 {
      %mul3A_87 = arith.constant 2 : i32
      %mul3A_88 = arith.muli %mul3A_87, %while3A_86 : i32
      %add3A_89 = arith.constant 1 : i32
      %add3A_90 = arith.addi %mul3A_88, %add3A_89 : i32
      %lt3A_91 = arith.cmpi slt, %add3A_90, %select_n3A : i32
      %convert_element_type3A_92 = arith.extui %lt3A_91 : i1 to i32
      %cond3A_93 = arith.constant 0 : i32
      %cond3A_94 = arith.cmpi ne, %convert_element_type3A_92, %cond3A_93 : i32
      scf.if %cond3A_94 {
        %mul3A_111 = arith.constant 128 : i32
        %mul3A_112 = arith.muli %add3A_90, %mul3A_111 : i32
        %add3A_113 = arith.addi %mul3A_41, %mul3A_112 : i32
        %dma_start3A_114 = arith.constant 0 : i32
        %dma_start3A_115 = tpu.memref_slice %arg2[%add3A_113, %dma_start3A_114] : memref<320000x128xf32, #tpu.memory_space<hbm>> -> memref<128x128xf32, #tpu.memory_space<hbm>>
        %dma_start3A_116 = arith.constant 0 : i32
        %dma_start3A_117 = tpu.memref_slice %arg2[%add3A_113, %dma_start3A_116] : memref<320000x128xf32, #tpu.memory_space<hbm>> -> memref<128x128xf32, #tpu.memory_space<hbm>>
        tpu.enqueue_dma source(%dma_start3A_117 : memref<128x128xf32, #tpu.memory_space<hbm>>) target(%arg7 : memref<128x128xf32, #tpu.memory_space<vmem>>) target_semaphore(%arg9 : memref<!tpu.dma_semaphore, #tpu.memory_space<semaphore_mem>>)
      } else {
      }
      %mul3A_95 = arith.constant 128 : i32
      %mul3A_96 = arith.muli %mul3A_88, %mul3A_95 : i32
      %add3A_97 = arith.addi %mul3A_41, %mul3A_96 : i32
      %dma_wait3A = arith.constant 0 : i32
      %dma_wait3A_98 = tpu.memref_slice %arg2[%add3A_97, %dma_wait3A] : memref<320000x128xf32, #tpu.memory_space<hbm>> -> memref<128x128xf32, #tpu.memory_space<hbm>>
      %dma_wait3A_99 = arith.constant 0 : i32
      %dma_wait3A_100 = tpu.memref_slice %arg2[%add3A_97, %dma_wait3A_99] : memref<320000x128xf32, #tpu.memory_space<hbm>> -> memref<128x128xf32, #tpu.memory_space<hbm>>
      tpu.wait_dma2 semaphore(%arg8 : memref<!tpu.dma_semaphore, #tpu.memory_space<semaphore_mem>>) src(%dma_wait3A_100 : memref<128x128xf32, #tpu.memory_space<hbm>>) dst(%arg6 : memref<128x128xf32, #tpu.memory_space<vmem>>)
      "tpu.region"() ({
        %run_scoped3A = tpu.sem_alloc : memref<!tpu.dma_semaphore, #tpu.memory_space<semaphore_mem>>
        %dma_start3A_111 = arith.constant 0 : i32
        %dma_start3A_112 = tpu.memref_slice %arg5[%mul3A_88, %dma_start3A_111] : memref<80x128xi32, #tpu.memory_space<vmem>> -> memref<1x128xi32, #tpu.memory_space<vmem>>
        %dma_start3A_113 = tpu.memref_squeeze %dma_start3A_112 : memref<1x128xi32, #tpu.memory_space<vmem>> -> memref<128xi32, #tpu.memory_space<vmem>>
        %dma_start3A_114 = arith.constant 0 : i32
        %dma_start3A_115 = arith.constant 0 : i32
        %dma_start3A_116 = tpu.memref_slice %arg10[%dma_start3A_114, %dma_start3A_115] : memref<10000x128xf32, #tpu.memory_space<vmem_shared>> -> memref<10000x128xf32, #tpu.memory_space<vmem_shared>>
        tpu.enqueue_indirect_dma source(%arg6 : memref<128x128xf32, #tpu.memory_space<vmem>>) target(%dma_start3A_116 : memref<10000x128xf32, #tpu.memory_space<vmem_shared>>) offsets(%dma_start3A_113 : memref<128xi32, #tpu.memory_space<vmem>>) semaphore(%run_scoped3A : memref<!tpu.dma_semaphore, #tpu.memory_space<semaphore_mem>>) {add = true}
        %dma_wait3A_117 = arith.constant 0 : i32
        %dma_wait3A_118 = tpu.memref_slice %arg5[%mul3A_88, %dma_wait3A_117] : memref<80x128xi32, #tpu.memory_space<vmem>> -> memref<1x128xi32, #tpu.memory_space<vmem>>
        %dma_wait3A_119 = tpu.memref_squeeze %dma_wait3A_118 : memref<1x128xi32, #tpu.memory_space<vmem>> -> memref<128xi32, #tpu.memory_space<vmem>>
        %dma_wait3A_120 = arith.constant 0 : i32
        %dma_wait3A_121 = arith.constant 0 : i32
        %dma_wait3A_122 = tpu.memref_slice %arg10[%dma_wait3A_120, %dma_wait3A_121] : memref<10000x128xf32, #tpu.memory_space<vmem_shared>> -> memref<10000x128xf32, #tpu.memory_space<vmem_shared>>
        tpu.wait_indirect_dma semaphore(%run_scoped3A : memref<!tpu.dma_semaphore, #tpu.memory_space<semaphore_mem>>) src(%arg6 : memref<128x128xf32, #tpu.memory_space<vmem>>) dst(%dma_wait3A_122 : memref<10000x128xf32, #tpu.memory_space<vmem_shared>>)
        tpu.yield
      }) : () -> ()
      %add3A_101 = arith.constant 1 : i32
      %add3A_102 = arith.addi %add3A_90, %add3A_101 : i32
      %lt3A_103 = arith.cmpi slt, %add3A_102, %select_n3A : i32
      %convert_element_type3A_104 = arith.extui %lt3A_103 : i1 to i32
      %cond3A_105 = arith.constant 0 : i32
      %cond3A_106 = arith.cmpi ne, %convert_element_type3A_104, %cond3A_105 : i32
      scf.if %cond3A_106 {
        %add3A_111 = arith.constant 1 : i32
        %add3A_112 = arith.addi %add3A_90, %add3A_111 : i32
        %mul3A_113 = arith.constant 128 : i32
        %mul3A_114 = arith.muli %add3A_112, %mul3A_113 : i32
        %add3A_115 = arith.addi %mul3A_41, %mul3A_114 : i32
        %dma_start3A_116 = arith.constant 0 : i32
        %dma_start3A_117 = tpu.memref_slice %arg2[%add3A_115, %dma_start3A_116] : memref<320000x128xf32, #tpu.memory_space<hbm>> -> memref<128x128xf32, #tpu.memory_space<hbm>>
        %dma_start3A_118 = arith.constant 0 : i32
        %dma_start3A_119 = tpu.memref_slice %arg2[%add3A_115, %dma_start3A_118] : memref<320000x128xf32, #tpu.memory_space<hbm>> -> memref<128x128xf32, #tpu.memory_space<hbm>>
        tpu.enqueue_dma source(%dma_start3A_119 : memref<128x128xf32, #tpu.memory_space<hbm>>) target(%arg6 : memref<128x128xf32, #tpu.memory_space<vmem>>) target_semaphore(%arg8 : memref<!tpu.dma_semaphore, #tpu.memory_space<semaphore_mem>>)
      } else {
      }
      %lt3A_107 = arith.cmpi slt, %add3A_90, %select_n3A : i32
      %convert_element_type3A_108 = arith.extui %lt3A_107 : i1 to i32
      %cond3A_109 = arith.constant 0 : i32
      %cond3A_110 = arith.cmpi ne, %convert_element_type3A_108, %cond3A_109 : i32
      scf.if %cond3A_110 {
        %mul3A_111 = arith.constant 128 : i32
        %mul3A_112 = arith.muli %add3A_90, %mul3A_111 : i32
        %add3A_113 = arith.addi %mul3A_41, %mul3A_112 : i32
        %dma_wait3A_114 = arith.constant 0 : i32
        %dma_wait3A_115 = tpu.memref_slice %arg2[%add3A_113, %dma_wait3A_114] : memref<320000x128xf32, #tpu.memory_space<hbm>> -> memref<128x128xf32, #tpu.memory_space<hbm>>
        %dma_wait3A_116 = arith.constant 0 : i32
        %dma_wait3A_117 = tpu.memref_slice %arg2[%add3A_113, %dma_wait3A_116] : memref<320000x128xf32, #tpu.memory_space<hbm>> -> memref<128x128xf32, #tpu.memory_space<hbm>>
        tpu.wait_dma2 semaphore(%arg9 : memref<!tpu.dma_semaphore, #tpu.memory_space<semaphore_mem>>) src(%dma_wait3A_117 : memref<128x128xf32, #tpu.memory_space<hbm>>) dst(%arg7 : memref<128x128xf32, #tpu.memory_space<vmem>>)
        "tpu.region"() ({
          %run_scoped3A = tpu.sem_alloc : memref<!tpu.dma_semaphore, #tpu.memory_space<semaphore_mem>>
          %dma_start3A_118 = arith.constant 0 : i32
          %dma_start3A_119 = tpu.memref_slice %arg5[%add3A_90, %dma_start3A_118] : memref<80x128xi32, #tpu.memory_space<vmem>> -> memref<1x128xi32, #tpu.memory_space<vmem>>
          %dma_start3A_120 = tpu.memref_squeeze %dma_start3A_119 : memref<1x128xi32, #tpu.memory_space<vmem>> -> memref<128xi32, #tpu.memory_space<vmem>>
          %dma_start3A_121 = arith.constant 0 : i32
          %dma_start3A_122 = arith.constant 0 : i32
          %dma_start3A_123 = tpu.memref_slice %arg10[%dma_start3A_121, %dma_start3A_122] : memref<10000x128xf32, #tpu.memory_space<vmem_shared>> -> memref<10000x128xf32, #tpu.memory_space<vmem_shared>>
          tpu.enqueue_indirect_dma source(%arg7 : memref<128x128xf32, #tpu.memory_space<vmem>>) target(%dma_start3A_123 : memref<10000x128xf32, #tpu.memory_space<vmem_shared>>) offsets(%dma_start3A_120 : memref<128xi32, #tpu.memory_space<vmem>>) semaphore(%run_scoped3A : memref<!tpu.dma_semaphore, #tpu.memory_space<semaphore_mem>>) {add = true}
          %dma_wait3A_124 = arith.constant 0 : i32
          %dma_wait3A_125 = tpu.memref_slice %arg5[%add3A_90, %dma_wait3A_124] : memref<80x128xi32, #tpu.memory_space<vmem>> -> memref<1x128xi32, #tpu.memory_space<vmem>>
          %dma_wait3A_126 = tpu.memref_squeeze %dma_wait3A_125 : memref<1x128xi32, #tpu.memory_space<vmem>> -> memref<128xi32, #tpu.memory_space<vmem>>
          %dma_wait3A_127 = arith.constant 0 : i32
          %dma_wait3A_128 = arith.constant 0 : i32
          %dma_wait3A_129 = tpu.memref_slice %arg10[%dma_wait3A_127, %dma_wait3A_128] : memref<10000x128xf32, #tpu.memory_space<vmem_shared>> -> memref<10000x128xf32, #tpu.memory_space<vmem_shared>>
          tpu.wait_indirect_dma semaphore(%run_scoped3A : memref<!tpu.dma_semaphore, #tpu.memory_space<semaphore_mem>>) src(%arg7 : memref<128x128xf32, #tpu.memory_space<vmem>>) dst(%dma_wait3A_129 : memref<10000x128xf32, #tpu.memory_space<vmem_shared>>)
          tpu.yield
        }) : () -> ()
      } else {
      }
    }
    %barrier3A_76 = arith.constant 0 : index
    tpu.barrier barrier_id(%barrier3A_76)
    %mul3A_77 = arith.constant 624 : i32
    %mul3A_78 = arith.muli %arg1, %mul3A_77 : i32
    %mul3A_79 = arith.constant 624 : i32
    %mul3A_80 = arith.muli %arg1, %mul3A_79 : i32
    "tpu.region"() ({
      %run_scoped3A = tpu.sem_alloc : memref<!tpu.dma_semaphore, #tpu.memory_space<semaphore_mem>>
      %dma_start3A_86 = arith.constant 0 : i32
      %dma_start3A_87 = tpu.memref_slice %arg4[%arg0, %mul3A_80, %dma_start3A_86] : memref<2x10000x128xf32, #tpu.memory_space<hbm>> -> memref<1x624x128xf32, #tpu.memory_space<hbm>>
      %dma_start3A_88 = tpu.memref_squeeze %dma_start3A_87 : memref<1x624x128xf32, #tpu.memory_space<hbm>> -> memref<624x128xf32, #tpu.memory_space<hbm>>
      %dma_start3A_89 = arith.constant 0 : i32
      %dma_start3A_90 = tpu.memref_slice %arg10[%mul3A_78, %dma_start3A_89] : memref<10000x128xf32, #tpu.memory_space<vmem_shared>> -> memref<624x128xf32, #tpu.memory_space<vmem_shared>>
      tpu.enqueue_dma source(%dma_start3A_90 : memref<624x128xf32, #tpu.memory_space<vmem_shared>>) target(%dma_start3A_88 : memref<624x128xf32, #tpu.memory_space<hbm>>) target_semaphore(%run_scoped3A : memref<!tpu.dma_semaphore, #tpu.memory_space<semaphore_mem>>)
      %dma_wait3A = arith.constant 0 : i32
      %dma_wait3A_91 = tpu.memref_slice %arg4[%arg0, %mul3A_80, %dma_wait3A] : memref<2x10000x128xf32, #tpu.memory_space<hbm>> -> memref<1x624x128xf32, #tpu.memory_space<hbm>>
      %dma_wait3A_92 = tpu.memref_squeeze %dma_wait3A_91 : memref<1x624x128xf32, #tpu.memory_space<hbm>> -> memref<624x128xf32, #tpu.memory_space<hbm>>
      %dma_wait3A_93 = arith.constant 0 : i32
      %dma_wait3A_94 = tpu.memref_slice %arg10[%mul3A_78, %dma_wait3A_93] : memref<10000x128xf32, #tpu.memory_space<vmem_shared>> -> memref<624x128xf32, #tpu.memory_space<vmem_shared>>
      tpu.wait_dma2 semaphore(%run_scoped3A : memref<!tpu.dma_semaphore, #tpu.memory_space<semaphore_mem>>) src(%dma_wait3A_94 : memref<624x128xf32, #tpu.memory_space<vmem_shared>>) dst(%dma_wait3A_92 : memref<624x128xf32, #tpu.memory_space<hbm>>)
      tpu.yield
    }) : () -> ()
    %eq3A_81 = arith.constant 15 : i32
    %eq3A_82 = arith.cmpi eq, %arg1, %eq3A_81 : i32
    %convert_element_type3A_83 = arith.extui %eq3A_82 : i1 to i32
    %cond3A_84 = arith.constant 0 : i32
    %cond3A_85 = arith.cmpi ne, %convert_element_type3A_83, %cond3A_84 : i32
    scf.if %cond3A_85 {
      "tpu.region"() ({
        %run_scoped3A = tpu.sem_alloc : memref<!tpu.dma_semaphore, #tpu.memory_space<semaphore_mem>>
        %dma_start3A_86 = arith.constant 9984 : i32
        %dma_start3A_87 = arith.constant 0 : i32
        %dma_start3A_88 = tpu.memref_slice %arg4[%arg0, %dma_start3A_86, %dma_start3A_87] : memref<2x10000x128xf32, #tpu.memory_space<hbm>> -> memref<1x16x128xf32, #tpu.memory_space<hbm>>
        %dma_start3A_89 = tpu.memref_squeeze %dma_start3A_88 : memref<1x16x128xf32, #tpu.memory_space<hbm>> -> memref<16x128xf32, #tpu.memory_space<hbm>>
        %dma_start3A_90 = arith.constant 9984 : i32
        %dma_start3A_91 = arith.constant 0 : i32
        %dma_start3A_92 = tpu.memref_slice %arg10[%dma_start3A_90, %dma_start3A_91] : memref<10000x128xf32, #tpu.memory_space<vmem_shared>> -> memref<16x128xf32, #tpu.memory_space<vmem_shared>>
        tpu.enqueue_dma source(%dma_start3A_92 : memref<16x128xf32, #tpu.memory_space<vmem_shared>>) target(%dma_start3A_89 : memref<16x128xf32, #tpu.memory_space<hbm>>) target_semaphore(%run_scoped3A : memref<!tpu.dma_semaphore, #tpu.memory_space<semaphore_mem>>)
        %dma_wait3A = arith.constant 9984 : i32
        %dma_wait3A_93 = arith.constant 0 : i32
        %dma_wait3A_94 = tpu.memref_slice %arg4[%arg0, %dma_wait3A, %dma_wait3A_93] : memref<2x10000x128xf32, #tpu.memory_space<hbm>> -> memref<1x16x128xf32, #tpu.memory_space<hbm>>
        %dma_wait3A_95 = tpu.memref_squeeze %dma_wait3A_94 : memref<1x16x128xf32, #tpu.memory_space<hbm>> -> memref<16x128xf32, #tpu.memory_space<hbm>>
        %dma_wait3A_96 = arith.constant 9984 : i32
        %dma_wait3A_97 = arith.constant 0 : i32
        %dma_wait3A_98 = tpu.memref_slice %arg10[%dma_wait3A_96, %dma_wait3A_97] : memref<10000x128xf32, #tpu.memory_space<vmem_shared>> -> memref<16x128xf32, #tpu.memory_space<vmem_shared>>
        tpu.wait_dma2 semaphore(%run_scoped3A : memref<!tpu.dma_semaphore, #tpu.memory_space<semaphore_mem>>) src(%dma_wait3A_98 : memref<16x128xf32, #tpu.memory_space<vmem_shared>>) dst(%dma_wait3A_95 : memref<16x128xf32, #tpu.memory_space<hbm>>)
        tpu.yield
      }) : () -> ()
    } else {
    }
    return
  }
}

module attributes {stable_mosaic.version = 14 : i64} {
  func.func @_node_body(%arg0: i32, %arg1: memref<1x1000x128xf32, #tpu.memory_space<vmem>>, %arg2: memref<1x1000x128xf32, #tpu.memory_space<vmem>>, %arg3: memref<128x256xf32, #tpu.memory_space<vmem>>, %arg4: memref<3x256x256xf32, #tpu.memory_space<vmem>>, %arg5: memref<3x256xf32, #tpu.memory_space<vmem>>, %arg6: memref<256x12xf32, #tpu.memory_space<vmem>>, %arg7: memref<1000x12xf32, #tpu.memory_space<vmem>>) attributes {dimension_semantics = [#tpu.dimension_semantics<arbitrary>], iteration_bounds = array<i64: 10>, scalar_prefetch = 0 : i64, scratch_operands = 0 : i64, tpu.core_type = #tpu.core_type<tc>, window_params = [{transform_indices = @transform_0, window_bounds = array<i64: 1, 1000, 128>}, {transform_indices = @transform_1, window_bounds = array<i64: 1, 1000, 128>}, {pipeline_mode = #tpu.pipeline_mode<synchronous>, transform_indices = @transform_2, window_bounds = array<i64: 128, 256>}, {pipeline_mode = #tpu.pipeline_mode<synchronous>, transform_indices = @transform_3, window_bounds = array<i64: 3, 256, 256>}, {pipeline_mode = #tpu.pipeline_mode<synchronous>, transform_indices = @transform_4, window_bounds = array<i64: 3, 256>}, {pipeline_mode = #tpu.pipeline_mode<synchronous>, transform_indices = @transform_5, window_bounds = array<i64: 256, 12>}, {transform_indices = @transform_6, window_bounds = array<i64: 1000, 12>}]} {
    %get3A = arith.constant 0 : index
    %get3A_0 = arith.constant 0 : index
    %get3A_1 = arith.constant 0 : index
    %get3A_2 = vector.load %arg1[%get3A, %get3A_0, %get3A_1] : memref<1x1000x128xf32, #tpu.memory_space<vmem>>, vector<1x1000x128xf32>
    %get3A_3 = vector.shape_cast %get3A_2 : vector<1x1000x128xf32> to vector<1000x128xf32>
    %get3A_4 = arith.constant 0 : index
    %get3A_5 = arith.constant 0 : index
    %get3A_6 = arith.constant 0 : index
    %get3A_7 = vector.load %arg2[%get3A_4, %get3A_5, %get3A_6] : memref<1x1000x128xf32, #tpu.memory_space<vmem>>, vector<1x1000x128xf32>
    %get3A_8 = vector.shape_cast %get3A_7 : vector<1x1000x128xf32> to vector<1000x128xf32>
    %add3A = arith.addf %get3A_3, %get3A_8 : vector<1000x128xf32>
    %get3A_9 = arith.constant 0 : index
    %get3A_10 = arith.constant 0 : index
    %get3A_11 = vector.load %arg3[%get3A_9, %get3A_10] : memref<128x256xf32, #tpu.memory_space<vmem>>, vector<128x256xf32>
    %dot_general3A = arith.constant dense<0.000000e+00> : vector<1000x256xf32>
    %dot_general3A_12 = tpu.matmul %add3A, %get3A_11, %dot_general3A {dimension_numbers = #tpu.dot_dimension_numbers<[1], [0], [0], [1], [0, 0, 1, 1], [], []>, transpose_lhs_hint = false} : vector<1000x128xf32>, vector<128x256xf32>, vector<1000x256xf32> -> vector<1000x256xf32>
    %get3A_13 = arith.constant 0 : index
    %get3A_14 = arith.constant 0 : index
    %get3A_15 = arith.constant 0 : index
    %get3A_16 = vector.load %arg4[%get3A_13, %get3A_14, %get3A_15] : memref<3x256x256xf32, #tpu.memory_space<vmem>>, vector<1x256x256xf32>
    %get3A_17 = vector.shape_cast %get3A_16 : vector<1x256x256xf32> to vector<256x256xf32>
    %dot_general3A_18 = arith.constant dense<0.000000e+00> : vector<1000x256xf32>
    %dot_general3A_19 = tpu.matmul %dot_general3A_12, %get3A_17, %dot_general3A_18 {dimension_numbers = #tpu.dot_dimension_numbers<[1], [0], [0], [1], [0, 0, 1, 1], [], []>, transpose_lhs_hint = false} : vector<1000x256xf32>, vector<256x256xf32>, vector<1000x256xf32> -> vector<1000x256xf32>
    %get3A_20 = arith.constant 0 : index
    %get3A_21 = arith.constant 0 : index
    %get3A_22 = vector.load %arg5[%get3A_20, %get3A_21] : memref<3x256xf32, #tpu.memory_space<vmem>>, vector<1x256xf32>
    %get3A_23 = vector.shape_cast %get3A_22 : vector<1x256xf32> to vector<256xf32>
    %broadcast_in_dim3A = vector.shape_cast %get3A_23 : vector<256xf32> to vector<1x256xf32>
    %add3A_24 = vector.broadcast %broadcast_in_dim3A : vector<1x256xf32> to vector<1000x256xf32>
    %add3A_25 = arith.addf %dot_general3A_19, %add3A_24 : vector<1000x256xf32>
    %neg3A = arith.constant 0.000000e+00 : f32
    %neg3A_26 = vector.broadcast %neg3A : f32 to vector<1000x256xf32>
    %neg3A_27 = arith.subf %neg3A_26, %add3A_25 : vector<1000x256xf32>
    %exp3A = math.exp %neg3A_27 : vector<1000x256xf32>
    %add3A_28 = arith.constant 1.000000e+00 : f32
    %add3A_29 = vector.broadcast %add3A_28 : f32 to vector<1000x256xf32>
    %add3A_30 = arith.addf %add3A_29, %exp3A : vector<1000x256xf32>
    %div3A = arith.constant 1.000000e+00 : f32
    %div3A_31 = vector.broadcast %div3A : f32 to vector<1000x256xf32>
    %div3A_32 = arith.divf %div3A_31, %add3A_30 : vector<1000x256xf32>
    %mul3A = arith.mulf %add3A_25, %div3A_32 : vector<1000x256xf32>
    %get3A_33 = arith.constant 1 : index
    %get3A_34 = arith.constant 0 : index
    %get3A_35 = arith.constant 0 : index
    %get3A_36 = vector.load %arg4[%get3A_33, %get3A_34, %get3A_35] : memref<3x256x256xf32, #tpu.memory_space<vmem>>, vector<1x256x256xf32>
    %get3A_37 = vector.shape_cast %get3A_36 : vector<1x256x256xf32> to vector<256x256xf32>
    %dot_general3A_38 = arith.constant dense<0.000000e+00> : vector<1000x256xf32>
    %dot_general3A_39 = tpu.matmul %mul3A, %get3A_37, %dot_general3A_38 {dimension_numbers = #tpu.dot_dimension_numbers<[1], [0], [0], [1], [0, 0, 1, 1], [], []>, transpose_lhs_hint = false} : vector<1000x256xf32>, vector<256x256xf32>, vector<1000x256xf32> -> vector<1000x256xf32>
    %get3A_40 = arith.constant 1 : index
    %get3A_41 = arith.constant 0 : index
    %get3A_42 = vector.load %arg5[%get3A_40, %get3A_41] : memref<3x256xf32, #tpu.memory_space<vmem>>, vector<1x256xf32>
    %get3A_43 = vector.shape_cast %get3A_42 : vector<1x256xf32> to vector<256xf32>
    %broadcast_in_dim3A_44 = vector.shape_cast %get3A_43 : vector<256xf32> to vector<1x256xf32>
    %add3A_45 = vector.broadcast %broadcast_in_dim3A_44 : vector<1x256xf32> to vector<1000x256xf32>
    %add3A_46 = arith.addf %dot_general3A_39, %add3A_45 : vector<1000x256xf32>
    %neg3A_47 = arith.constant 0.000000e+00 : f32
    %neg3A_48 = vector.broadcast %neg3A_47 : f32 to vector<1000x256xf32>
    %neg3A_49 = arith.subf %neg3A_48, %add3A_46 : vector<1000x256xf32>
    %exp3A_50 = math.exp %neg3A_49 : vector<1000x256xf32>
    %add3A_51 = arith.constant 1.000000e+00 : f32
    %add3A_52 = vector.broadcast %add3A_51 : f32 to vector<1000x256xf32>
    %add3A_53 = arith.addf %add3A_52, %exp3A_50 : vector<1000x256xf32>
    %div3A_54 = arith.constant 1.000000e+00 : f32
    %div3A_55 = vector.broadcast %div3A_54 : f32 to vector<1000x256xf32>
    %div3A_56 = arith.divf %div3A_55, %add3A_53 : vector<1000x256xf32>
    %mul3A_57 = arith.mulf %add3A_46, %div3A_56 : vector<1000x256xf32>
    %get3A_58 = arith.constant 2 : index
    %get3A_59 = arith.constant 0 : index
    %get3A_60 = arith.constant 0 : index
    %get3A_61 = vector.load %arg4[%get3A_58, %get3A_59, %get3A_60] : memref<3x256x256xf32, #tpu.memory_space<vmem>>, vector<1x256x256xf32>
    %get3A_62 = vector.shape_cast %get3A_61 : vector<1x256x256xf32> to vector<256x256xf32>
    %dot_general3A_63 = arith.constant dense<0.000000e+00> : vector<1000x256xf32>
    %dot_general3A_64 = tpu.matmul %mul3A_57, %get3A_62, %dot_general3A_63 {dimension_numbers = #tpu.dot_dimension_numbers<[1], [0], [0], [1], [0, 0, 1, 1], [], []>, transpose_lhs_hint = false} : vector<1000x256xf32>, vector<256x256xf32>, vector<1000x256xf32> -> vector<1000x256xf32>
    %get3A_65 = arith.constant 2 : index
    %get3A_66 = arith.constant 0 : index
    %get3A_67 = vector.load %arg5[%get3A_65, %get3A_66] : memref<3x256xf32, #tpu.memory_space<vmem>>, vector<1x256xf32>
    %get3A_68 = vector.shape_cast %get3A_67 : vector<1x256xf32> to vector<256xf32>
    %broadcast_in_dim3A_69 = vector.shape_cast %get3A_68 : vector<256xf32> to vector<1x256xf32>
    %add3A_70 = vector.broadcast %broadcast_in_dim3A_69 : vector<1x256xf32> to vector<1000x256xf32>
    %add3A_71 = arith.addf %dot_general3A_64, %add3A_70 : vector<1000x256xf32>
    %neg3A_72 = arith.constant 0.000000e+00 : f32
    %neg3A_73 = vector.broadcast %neg3A_72 : f32 to vector<1000x256xf32>
    %neg3A_74 = arith.subf %neg3A_73, %add3A_71 : vector<1000x256xf32>
    %exp3A_75 = math.exp %neg3A_74 : vector<1000x256xf32>
    %add3A_76 = arith.constant 1.000000e+00 : f32
    %add3A_77 = vector.broadcast %add3A_76 : f32 to vector<1000x256xf32>
    %add3A_78 = arith.addf %add3A_77, %exp3A_75 : vector<1000x256xf32>
    %div3A_79 = arith.constant 1.000000e+00 : f32
    %div3A_80 = vector.broadcast %div3A_79 : f32 to vector<1000x256xf32>
    %div3A_81 = arith.divf %div3A_80, %add3A_78 : vector<1000x256xf32>
    %mul3A_82 = arith.mulf %add3A_71, %div3A_81 : vector<1000x256xf32>
    %get3A_83 = arith.constant 0 : index
    %get3A_84 = arith.constant 0 : index
    %get3A_85 = vector.load %arg6[%get3A_83, %get3A_84] : memref<256x12xf32, #tpu.memory_space<vmem>>, vector<256x12xf32>
    %dot_general3A_86 = arith.constant dense<0.000000e+00> : vector<1000x12xf32>
    %dot_general3A_87 = tpu.matmul %mul3A_82, %get3A_85, %dot_general3A_86 {dimension_numbers = #tpu.dot_dimension_numbers<[1], [0], [0], [1], [0, 0, 1, 1], [], []>, transpose_lhs_hint = false} : vector<1000x256xf32>, vector<256x12xf32>, vector<1000x12xf32> -> vector<1000x12xf32>
    %swap3A = arith.constant 0 : index
    %swap3A_88 = arith.constant 0 : index
    %swap3A_89 = vector.load %arg7[%swap3A, %swap3A_88] : memref<1000x12xf32, #tpu.memory_space<vmem>>, vector<1000x12xf32>
    tpu.vector_store %arg7[%swap3A, %swap3A_88], %dot_general3A_87 {strides = array<i32>} : memref<1000x12xf32, #tpu.memory_space<vmem>>, vector<1000x12xf32>,
    return
  }
  func.func @transform_0(%arg0: i32) -> (i32, i32, i32) {
    %c0_i32 = arith.constant 0 : i32
    %c0_i32_0 = arith.constant 0 : i32
    %c0_i32_1 = arith.constant 0 : i32
    return %c0_i32, %arg0, %c0_i32_0 : i32, i32, i32
  }
  func.func @transform_1(%arg0: i32) -> (i32, i32, i32) {
    %c1_i32 = arith.constant 1 : i32
    %c0_i32 = arith.constant 0 : i32
    %c0_i32_0 = arith.constant 0 : i32
    return %c1_i32, %arg0, %c0_i32 : i32, i32, i32
  }
  func.func @transform_2(%arg0: i32) -> (i32, i32) {
    %c0_i32 = arith.constant 0 : i32
    %c0_i32_0 = arith.constant 0 : i32
    %c0_i32_1 = arith.constant 0 : i32
    return %c0_i32, %c0_i32_0 : i32, i32
  }
  func.func @transform_3(%arg0: i32) -> (i32, i32, i32) {
    %c0_i32 = arith.constant 0 : i32
    %c0_i32_0 = arith.constant 0 : i32
    %c0_i32_1 = arith.constant 0 : i32
    %c0_i32_2 = arith.constant 0 : i32
    return %c0_i32, %c0_i32_0, %c0_i32_1 : i32, i32, i32
  }
  func.func @transform_4(%arg0: i32) -> (i32, i32) {
    %c0_i32 = arith.constant 0 : i32
    %c0_i32_0 = arith.constant 0 : i32
    %c0_i32_1 = arith.constant 0 : i32
    return %c0_i32, %c0_i32_0 : i32, i32
  }
  func.func @transform_5(%arg0: i32) -> (i32, i32) {
    %c0_i32 = arith.constant 0 : i32
    %c0_i32_0 = arith.constant 0 : i32
    %c0_i32_1 = arith.constant 0 : i32
    return %c0_i32, %c0_i32_0 : i32, i32
  }
  func.func @transform_6(%arg0: i32) -> (i32, i32) {
    %c0_i32 = arith.constant 0 : i32
    %c0_i32_0 = arith.constant 0 : i32
    return %arg0, %c0_i32 : i32, i32
  }
}

module attributes {stable_mosaic.version = 14 : i64} {
  func.func @_edge_body(%arg0: i32, %arg1: memref<6x12800xf32, #tpu.memory_space<vmem>>, %arg2: memref<12800x128xf32, #tpu.memory_space<vmem>>, %arg3: memref<6x128xf32, #tpu.memory_space<vmem>>, %arg4: memref<12800x128xf32, #tpu.memory_space<vmem>>) attributes {dimension_semantics = [#tpu.dimension_semantics<arbitrary>], iteration_bounds = array<i64: 25>, scalar_prefetch = 0 : i64, scratch_operands = 0 : i64, tpu.core_type = #tpu.core_type<tc>, window_params = [{transform_indices = @transform_0, window_bounds = array<i64: 6, 12800>}, {transform_indices = @transform_1, window_bounds = array<i64: 12800, 128>}, {pipeline_mode = #tpu.pipeline_mode<synchronous>, transform_indices = @transform_2, window_bounds = array<i64: 6, 128>}, {transform_indices = @transform_3, window_bounds = array<i64: 12800, 128>}]} {
    %get3A = arith.constant 0 : index
    %get3A_0 = arith.constant 0 : index
    %get3A_1 = vector.load %arg1[%get3A, %get3A_0] : memref<6x12800xf32, #tpu.memory_space<vmem>>, vector<6x12800xf32>
    %get3A_2 = arith.constant 0 : index
    %get3A_3 = arith.constant 0 : index
    %get3A_4 = vector.load %arg3[%get3A_2, %get3A_3] : memref<6x128xf32, #tpu.memory_space<vmem>>, vector<6x128xf32>
    %dot_general3A = arith.constant dense<0.000000e+00> : vector<12800x128xf32>
    %dot_general3A_5 = tpu.matmul %get3A_1, %get3A_4, %dot_general3A {dimension_numbers = #tpu.dot_dimension_numbers<[0], [0], [1], [1], [0, 1, 1, 1], [], []>, transpose_lhs_hint = false} : vector<6x12800xf32>, vector<6x128xf32>, vector<12800x128xf32> -> vector<12800x128xf32>
    %get3A_6 = arith.constant 0 : index
    %get3A_7 = arith.constant 0 : index
    %get3A_8 = vector.load %arg2[%get3A_6, %get3A_7] : memref<12800x128xf32, #tpu.memory_space<vmem>>, vector<12800x128xf32>
    %mul3A = arith.mulf %dot_general3A_5, %get3A_8 : vector<12800x128xf32>
    %swap3A = arith.constant 0 : index
    %swap3A_9 = arith.constant 0 : index
    %swap3A_10 = vector.load %arg4[%swap3A, %swap3A_9] : memref<12800x128xf32, #tpu.memory_space<vmem>>, vector<12800x128xf32>
    tpu.vector_store %arg4[%swap3A, %swap3A_9], %mul3A {strides = array<i32>} : memref<12800x128xf32, #tpu.memory_space<vmem>>, vector<12800x128xf32>,
    return
  }
  func.func @transform_0(%arg0: i32) -> (i32, i32) {
    %c0_i32 = arith.constant 0 : i32
    %c0_i32_0 = arith.constant 0 : i32
    return %c0_i32, %arg0 : i32, i32
  }
  func.func @transform_1(%arg0: i32) -> (i32, i32) {
    %c0_i32 = arith.constant 0 : i32
    %c0_i32_0 = arith.constant 0 : i32
    return %arg0, %c0_i32 : i32, i32
  }
  func.func @transform_2(%arg0: i32) -> (i32, i32) {
    %c0_i32 = arith.constant 0 : i32
    %c0_i32_0 = arith.constant 0 : i32
    %c0_i32_1 = arith.constant 0 : i32
    return %c0_i32, %c0_i32_0 : i32, i32
  }
  func.func @transform_3(%arg0: i32) -> (i32, i32) {
    %c0_i32 = arith.constant 0 : i32
    %c0_i32_0 = arith.constant 0 : i32
    return %arg0, %c0_i32 : i32, i32
  }
}

</mosaic_0001>

<sc_bundles>
// kernel: kernel.5.cloned.1.call-start
scs
__scs_entry_jumppad:
0x0: {  	(pc) =	sbr.rel $0x88, $3  }
0x1: {  	(tag) =	ssettag $0x0;
	lr =	simm.s32 $0x1  }
0x2: {  	[smem:$0x3F99] =	sst lr;
	_ =	strace $0xD0000000  }
0x3: {  	_ = 	snop  }
0x4: {  	_ = 	snop  }
0x5: {  	_ = 	snop  }
0x6: {  	_ = 	snop  }
0x7: {  	_ = 	snop  }
__scs_overlays_trampoline_lowered:
0x8: {  	[smem:$0x3FA8] =	sst s0  }
0x9: {  	[smem:$0x3FA9] =	sst s1  }
0xa: {  	[smem:$0x3FAA] =	sst s2  }
0xb: {  	[smem:$0x3FAB] =	sst s3  }
0xc: {  	[smem:$0x3FAC] =	sst s4  }
0xd: {  	[smem:$0x3FAD] =	sst s5  }
0xe: {  	[smem:$0x3FAE] =	sst s6  }
0xf: {  	[smem:$0x3FAF] =	sst s7  }
0x10: {  	[smem:$0x3FB0] =	sst s8  }
0x11: {  	[smem:$0x3FB1] =	sst s9;
	s0 =	simm.s32 @!p0 $0x0  }
0x12: {  	s1 =	sld [smem:$0x3F97];
	s0 =	simm.s32 @p0 $0x1  }
0x13: {  	[smem:$0x3FB2] =	sst s0;
	s0 =	simm.s32 @!p1 $0x0  }
0x14: {  	s2 =	sld [smem:$0x3F96];
	s0 =	simm.s32 @p1 $0x1  }
0x15: {  	[smem:$0x3FB3] =	sst s0;
	s0 =	simm.s32 @!p2 $0x0  }
0x16: {  	s3 =	sld [smem:$0x3FDB];
	s0 =	simm.s32 @p2 $0x1  }
0x17: {  	s4 =	simm.s32 $0x1BF5;
	[smem:$0x3FB5] =	sst s0  }
0x18: {  	s0 =	sld [smem:$0x3F98];
	_ =	swait.ge [sflag:s4], $0x0  }
0x19: {  	s7 =	sld [smem:$0x3F99]  }
0x1a: {  	s8 =	sadd.s32 $0xFFFFE003, lr  }
0x1b: {  	s9 =	sadd.s32 $0xFFFFFEF7, lr;
	s5 =	simm.s32 $0xFFFFFFFF;
	p2 =	slt.u32 s8, $0xFFFFF086  }
0x1c: {  	p1 =	slt.u32 s9, $0xF7A;
	s5 =	simm.s32 @!p2 $0x0  }
0x1d: {  	s5 =	simm.s32 @p1 $0x1;
	p0 =	seq.s32 s7, s2  }
0x1e: {  	s7 =	smul.u32 @!p0 $0xF7A, s2;
	p2 =	seq.s32 @!p0 s5, $0x0  }
0x1f: {  	s9 =	smul.u32 $0xF7A, s1;
	s8 =	simm.s32 @!p0 $0x1BF5;
	p2 =	por !p2, p0  }
0x20: {  	[sflag:s8] =	ssyncset.s32 @!p0 $0xFFFFF086;
	s6 =	sadd.s32 @!p0 s3, s7;
	s7 =	simm.s32 @!p0 $0x108  }
0x21: {  	s3 =	sadd.s32 s3, s9;
	s6 =	sadd.s32 @!p0 $0x88, s6;
	s7 =	simm.s32 @p2 $0x1082  }
0x22: {  	[simem:s7], [sflag:s8] =	dma.local @!p0 [hbm:s6], $0xF7A  }
0x23: {  	s9 =	sor.u32 $0xD0000000, s2;
	s6 =	simm.s32 $0x108;
	_ =	swait.ge @!p0 [sflag:s8], $0x0  }
0x24: {  	s3 =	sadd.s32 $0x88, s3;
	s6 =	simm.s32 @!p1 $0x1082;
	[sflag:s4] =	ssyncset.s32 $0xFFFFF086  }
0x25: {  	[simem:s6], [sflag:s4] =	dma.local [hbm:s3], $0xF7A  }
0x26: {  	[smem:$0x3F99] =	sst s1;
	(tag) =	ssettag s2;
	_ =	strace s9  }
0x27: {  	s1 =	sld [smem:$0x3FA9]  }
0x28: {  	s2 =	sld [smem:$0x3FAA]  }
0x29: {  	s4 =	sld [smem:$0x3FAC]  }
0x2a: {  	p0 =	seq.s32 s5, $0x0;
	s5 =	sld [smem:$0x3FAD]  }
0x2b: {  	s6 =	sld [smem:$0x3FAE]  }
0x2c: {  	s7 =	sld [smem:$0x3FAF]  }
0x2d: {  	s3 =	simm.s32 $0x108;
	s8 =	sld [smem:$0x3FB0]  }
0x2e: {  	s3 =	simm.s32 @!p0 $0x1082;
	s9 =	sld [smem:$0x3FB1]  }
0x2f: {  	lr =	sadd.s32 s0, s3;
	s0 =	sld [smem:$0x3FA8]  }
0x30: {  	s3 =	sld [smem:$0x3FAB]  }
0x31: {  	[smem:$0x3FB4] =	sst s10  }
0x32: {  	s10 =	sld [smem:$0x3FB2];
	_ =	sdelay $0x3  }
0x33: {  	p0 =	seq.s32 s10, $0x1;
	s10 =	sld [smem:$0x3FB4];
	_ =	sdelay $0x3  }
0x34: {  	[smem:$0x3FB4] =	sst s10  }
0x35: {  	s10 =	sld [smem:$0x3FB3];
	_ =	sdelay $0x3  }
0x36: {  	p1 =	seq.s32 s10, $0x1;
	s10 =	sld [smem:$0x3FB4];
	_ =	sdelay $0x3  }
0x37: {  	[smem:$0x3FB4] =	sst s10  }
0x38: {  	s10 =	sld [smem:$0x3FB5]  }
0x39: {  	_ = 	snop;
	(pc) =	sbr.ind lr, $3  }
0x3a: {  	_ = 	snop  }
0x3b: {  	_ = 	snop  }
0x3c: {  	p2 =	seq.s32 s10, $0x1;
	s10 =	sld [smem:$0x3FB4]  }
0x3d: {  	_ =	shalt  }
0x3e: {  	_ =	shalt  }
0x3f: {  	_ =	shalt  }
0x40: {  	_ =	shalt  }
0x41: {  	_ =	shalt  }
0x42: {  	_ =	shalt  }
0x43: {  	_ =	shalt  }
0x44: {  	_ =	shalt  }
0x45: {  	_ =	shalt  }
0x46: {  	_ =	shalt  }
0x47: {  	_ =	shalt  }
0x48: {  	_ =	shalt  }
0x49: {  	_ =	shalt  }
0x4a: {  	_ =	shalt  }
0x4b: {  	_ =	shalt  }
0x4c: {  	_ =	shalt  }
0x4d: {  	_ =	shalt  }
0x4e: {  	_ =	shalt  }
0x4f: {  	_ =	shalt  }
0x50: {  	_ =	shalt  }
0x51: {  	_ =	shalt  }
0x52: {  	_ =	shalt  }
0x53: {  	_ =	shalt  }
0x54: {  	_ =	shalt  }
0x55: {  	_ =	shalt  }
0x56: {  	_ =	shalt  }
0x57: {  	_ =	shalt  }
0x58: {  	_ =	shalt  }
0x59: {  	_ =	shalt  }
0x5a: {  	_ =	shalt  }
0x5b: {  	_ =	shalt  }
0x5c: {  	_ =	shalt  }
0x5d: {  	_ =	shalt  }
0x5e: {  	_ =	shalt  }
0x5f: {  	_ =	shalt  }
0x60: {  	_ =	shalt  }
0x61: {  	_ =	shalt  }
0x62: {  	_ =	shalt  }
0x63: {  	_ =	shalt  }
0x64: {  	_ =	shalt  }
0x65: {  	_ =	shalt  }
0x66: {  	_ =	shalt  }
0x67: {  	_ =	shalt  }
0x68: {  	_ =	shalt  }
0x69: {  	_ =	shalt  }
0x6a: {  	_ =	shalt  }
0x6b: {  	_ =	shalt  }
0x6c: {  	_ =	shalt  }
0x6d: {  	_ =	shalt  }
0x6e: {  	_ =	shalt  }
0x6f: {  	_ =	shalt  }
0x70: {  	_ =	shalt  }
0x71: {  	_ =	shalt  }
0x72: {  	_ =	shalt  }
0x73: {  	_ =	shalt  }
0x74: {  	_ =	shalt  }
0x75: {  	_ =	shalt  }
0x76: {  	_ =	shalt  }
0x77: {  	_ =	shalt  }
0x78: {  	_ =	shalt  }
0x79: {  	_ =	shalt  }
0x7a: {  	_ =	shalt  }
0x7b: {  	_ =	shalt  }
0x7c: {  	_ =	shalt  }
0x7d: {  	_ =	shalt  }
0x7e: {  	_ =	shalt  }
0x7f: {  	_ =	shalt  }
0x80: {  	_ =	shalt  }
0x81: {  	_ =	shalt  }
0x82: {  	_ =	shalt  }
0x83: {  	_ =	shalt  }
0x84: {  	_ =	shalt  }
0x85: {  	_ =	shalt  }
0x86: {  	_ =	shalt  }
0x87: {  	_ =	shalt  }
.Lfunc_end0:
.L_simem_size_0:
called_computation_lowered:
.L_overlay_start_0:
0x88: {  	s2 =	sld [smem:$0x3FD9]  }
0x89: {  	s3 =	sld [smem:$0x3FFE];
	_ =	sdelay $0x1  }
0x8a: {  	s1 =	srdreg.scid  }
0x8b: {  	s0 =	sand.u32 $0x1, s1  }
0x8c: {  	s17 =	sshll.u32 s0, $0xA;
	s2 =	sadd.s32 s3, s2  }
0x8d: {  	s2 =	sadd.s32 s2, s17  }
0x8e: {  	[smem:$0x3FC0] =	sst s2  }
0x8f: {  	_ = 	snop  }
0x90: {  	s2 =	sld [smem:$0x3FC7];
	(tm) =	ssettm $0x1  }
0x91: {  	s18 =	sld [smem:$0x3FFB];
	_ =	sdelay $0x3  }
0x92: {  	_ =	strace s18  }
0x93: {  	s3 =	sld [smem:$0x3FFC];
	_ =	sdelay $0x3  }
0x94: {  	_ =	strace s3  }
0x95: {  	s3 =	sld [smem:$0x3FFD];
	_ =	sdelay $0x3  }
0x96: {  	_ =	strace s3  }
0x97: {  	_ =	strace $0x8FFFFFFF  }
0x98: {  	s19 =	sld [smem:$0x3FDB];
	_ =	sdelay $0x1  }
0x99: {  	s4 =	simm.s32 $_scs_section_size  }
0x9a: {  	s5 =	simm.s32 $_size__tile_overlayer_lowered;
	s6 =	simm.s32 $_tile_overlayer_lowered  }
0x9b: {  	s22 =	simm.s32 $0x1BFF;
	s21 =	sshll.u32 s6, $0x1;
	s3 =	sadd.s32 s4, s19  }
0x9c: {  	s7 =	simm.s32 $0x0;
	s20 =	sshll.u32 s5, $0x1;
	s5 =	sadd.s32 s21, s3  }
0x9d: {  	[timem:s7], [sflag:s22] =	dma.local [hbm:s5], s20  }
0x9e: {  	_ =	swait.ge [sflag:s22], s20  }
0x9f: {  	s4 =	ssub.s32 $0x0, s20;
	[sflag:s22] =	ssyncset.done $0x0  }
0xa0: {  	[sflag:s22] =	ssyncadd.s32 s4;
	_ =	sdelay $0x1  }
0xa1: {  	s23 =	simm.s32 $0x1B8B  }
0xa2: {  	_ =	swait.ge [sflag:s23], $0x1  }
0xa3: {  	[sflag:s23] =	ssyncset.done $0x0  }
0xa4: {  	s25 =	simm.s32 $0x1B8E;
	s24 =	sld [smem:$0x3FFE];
	[sflag:s23] =	ssyncadd.s32 $0xFFFFFFFF  }
0xa5: {  	s26 =	simm.s32 $execute0_lowered;
	[smem:$0x3FD2] =	sst s25  }
0xa6: {  	s5 =	sshll.u32 s26, $0x1;
	_ =	strace $0x80000046;
	[dreg:$0x1] =	wrdreg $0xFFFFFFFF  }
0xa7: {  	s28 =	simm.s32 $_size_execute0_lowered;
	s3 =	sadd.s32 s3, s5;
	[dreg:$0x0] =	wrdreg $0x0  }
0xa8: {  	s5 =	sshll.u32 s28, $0x1;
	[dreg:$0x2] =	wrdreg s3  }
0xa9: {  	[dreg:$0x3] =	wrdreg s5  }
0xaa: {  	[dreg:$0x4] =	wrdreg $0xC0  }
0xab: {  	_ =	task [dreg:s7], $0x5FFFF  }
0xac: {  	[dreg:$0x1] =	wrdreg $0xFFFFFFFF  }
0xad: {  	[dreg:$0x0] =	wrdreg $0x60  }
0xae: {  	[dreg:$0x2] =	wrdreg s24  }
0xaf: {  	[dreg:$0x3] =	wrdreg s2  }
0xb0: {  	[dreg:$0x4] =	wrdreg $0xA8000  }
0xb1: {  	[dreg:$0x5] =	wrdreg $0x9  }
0xb2: {  	_ =	task.clear_ibuf [dreg:s7], $0x6FFFF;
	_ =	strace $0x90000046  }
0xb3: {  	s29 =	simm.s32 $0x9;
	_ =	strace $0x80000048  }
0xb4: {  	_ =	swait.ge [sflag:s29], $0x1  }
0xb5: {  	[sflag:s29] =	ssyncadd.s32 $0xFFFFFFFF  }
0xb6: {  	_ =	strace $0x90000048  }
0xb7: {  	_ =	sfence  }
0xb8: {  	s30 =	sld [smem:$0x0];
	_ =	sdelay $0x2  }
0xb9: {  	s31 =	sshll.u32 s1, $0xD;
	s1 =	sshrl.u32 s1, $0x2  }
0xba: {  	s3 =	sand.u32 $0x4000, s31;
	s1 =	sadd.s32 s1, s30  }
0xbb: {  	s0 =	sor.u32 s3, s0;
	s1 =	sshll.u32 s1, $0x11  }
0xbc: {  	s0 =	sor.u32 s1, s0  }
0xbd: {  	s0 =	sadd.s32 $0x8F2B, s0  }
0xbe: {  	[sflag:s0] =	ssyncadd.remote.s32 $0x1  }
0xbf: {  	_ =	sfence.sel $0xFFFF  }
0xc0: {  	[dreg:$0x0] =	wrdreg $0xFFFFFFFF;
	(pc) =	sbr.abs _section_cstart, $3  }
0xc1: {  	[dreg:$0x1] =	wrdreg $0xFFFFFFFF  }
0xc2: {  	_ =	task.clear_ibuf [dreg:s7], $0x2FFFF;
	_ =	strace $0x9FFFFFFF  }
0xc3: {  	(tm) =	ssettm $0x7FFFFFFF  }
tec
execute0_lowered:
.L_overlay_start_1:
0x0: {  	(tag) =	ssettag $0x1  }
0x1: {  	s0 =	rddreg [dreg:$0x0]  }
0x2: {  	s1 =	rddreg [dreg:$0x1]  }
0x3: {  	s2 =	rddreg [dreg:$0x2]  }
0x4: {  	s4 =	srdreg.scid;
	s21 =	stileid.u32;
	s3 =	simm.s32 $0x0  }
0x5: {  	s5 =	sand.u32 $0x1, s4;
	s14 =	sshll.u32 s21, $0x1;
	s15 =	smul.u32 $0x4E000, s21  }
0x6: {  	[smem:$0x7FF] =	sst s3;
	s7 =	sadd.s32 $0x1200, s0;
	s13 =	smul.u32 $0x138800, s5  }
0x7: {  	s0 =	sadd.s32 $0x4E3200, s0;
	s6 =	sor.u32 s5, s14;
	s14 =	smul.u32 $0x13800, s21  }
0x8: {  	s11 =	sadd.s32 $0x9B00, s1;
	s8 =	ssub.s32 $0x2, s5;
	s5 =	smul.u32 $0x140000, s5  }
0x9: {  	p0 =	sne.s32 s21, $0xF;
	_ =	strace $0x80000047;
	s10 =	smul.u32 $0x500, s6  }
0xa: {  	s12 =	smul.u32 $0x28000, s6;
	s9 =	sshrl.u32 s8, $0x1;
	s4 =	sshrl.u32 s15, $0x2  }
0xb: {  	p1 =	seq.s32 s6, $0x1F;
	s15 =	ssub.s32 s8, s9;
	s4 =	sadd.s32 s4, s2  }
0xc: {  	s9 =	sadd.s32 $0x138000, s2;
	s22 =	sadd.s32 s14, s13;
	s23 =	sshrl.u32 s13, $0x3  }
0xd: {  	s16 =	sadd.s32 $0x4000, s4;
	s17 =	sadd.s32 $0x8000, s4;
	s19 =	sadd.s32 $0xC000, s4  }
0xe: {  	s20 =	sadd.s32 $0x10000, s4;
	s10 =	sadd.s32 s1, s10;
	[dreg:$0x4] =	wrdreg s16  }
0xf: {  	s12 =	sadd.s32 s7, s12;
	s1 =	sshrl.u32 s22, $0x3;
	[dreg:$0x5] =	wrdreg s17  }
0x10: {  	s15 =	smax.u32 s15, $0x1;
	s16 =	smul.u32 $0x280000, s21;
	[dreg:$0x6] =	wrdreg s19  }
0x11: {  	s22 =	simm.s32 $0x3;
	[dreg:$0x7] =	wrdreg s20;
	s13 =	sadd.s32 s0, s1  }
0x12: {  	s0 =	sadd.s32 s0, s23;
	s21 =	simm.s32 $0x2800;
	s5 =	sadd.s32 s5, s16  }
0x13: {  	s23 =	simm.s32 $0x1;
	s14 =	sadd.s32 $0x27000, s0;
	s16 =	sor.u32 $0x10000, s5  }
0x14: {  	s26 =	sor.u32 $0xC000, s5;
	s29 =	sor.u32 $0x4000, s5;
	s5 =	sor.u32 $0x8000, s5  }
0x15: {  	s24 =	sshrl.u32 s16, $0x3;
	s28 =	sshrl.u32 s26, $0x3;
	s30 =	sshrl.u32 s29, $0x3  }
0x16: {  	s31 =	sshrl.u32 s5, $0x3;
	s25 =	sadd.s32 s24, s7;
	s0 =	sadd.s32 s28, s7  }
0x17: {  	s19 =	sadd.s32 s30, s7;
	s20 =	sadd.s32 s31, s7;
	s24 =	simm.s32 $0x80  }
0x18: {  	v0 =	vimm.f32 $0.0e+00;
	s16 =	sadd.s32 $0xFFFFF000, s25;
	s17 =	sadd.s32 $0xFFFFF000, s0;
	s25 =	simm.s32 $0x4  }
.LBB2_1:
0x19: {  	s0 =	simm.s32 $0x0;
	s1 =	simm.s32 $0x200  }
.LBB2_2:
0x1a: {  	p2 =	sne.s32 s1, $0xFE00;
	[tilespmem:s0+$0x2870] =	vst v0  }
0x1b: {  	[tilespmem:s0+$0x2800] =	vst v0  }
0x1c: {  	[tilespmem:s0+$0x2810] =	vst v0  }
.Ltmp0:
0x1d: {  	[tilespmem:s0+$0x2820] =	vst v0;
	(pc) =	sbr.rel @p2 .LBB2_2-.Ltmp0, $4  }
0x1e: {  	[tilespmem:s0+$0x2830] =	vst v0  }
0x1f: {  	[tilespmem:s0+$0x2840] =	vst v0  }
0x20: {  	[tilespmem:s0+$0x2850] =	vst v0  }
0x21: {  	[tilespmem:s0+$0x2860] =	vst v0;
	s0 =	sshra.s32 s1, $0x2;
	s1 =	sadd.s32 $0x200, s1  }
0x22: {  	[tilespmem:s0+$0x2870] =	vst v0  }
0x23: {  	[tilespmem:s0+$0x2800] =	vst v0  }
0x24: {  	[tilespmem:s0+$0x2810] =	vst v0  }
0x25: {  	[tilespmem:s0+$0x2820] =	vst v0  }
0x26: {  	[tilespmem:s0+$0x2830] =	vst v0  }
0x27: {  	[tilespmem:s0+$0x2840] =	vst v0  }
0x28: {  	[tilespmem:s0+$0x2850] =	vst v0  }
0x29: {  	[tilespmem:s0+$0x2860] =	vst v0  }
0x2a: {  	[spmem:s4] =	stream.linear.scatter [tilespmem:s21], [sflag:$0x3], $0x4000, $0x38;
	[tilespmem:$0x1E080] =	vst v63  }
0x2b: {  	_ =	swait.ge [sflag:s22], $0x4000  }
0x2c: {  	[sflag:s22] =	ssyncset.done $0x0  }
0x2d: {  	s6 =	rddreg [dreg:$0x4];
	[sflag:s22] =	ssyncadd.s32 $0xFFFFC000  }
0x2e: {  	[spmem:s6] =	stream.linear.scatter [tilespmem:s21], [sflag:$0x3], $0x4000, $0x38;
	[tilespmem:$0x1E080] =	vst v63  }
0x2f: {  	_ =	swait.ge [sflag:s22], $0x4000  }
0x30: {  	[sflag:s22] =	ssyncset.done $0x0  }
0x31: {  	s7 =	rddreg [dreg:$0x5];
	[sflag:s22] =	ssyncadd.s32 $0xFFFFC000  }
0x32: {  	[spmem:s7] =	stream.linear.scatter [tilespmem:s21], [sflag:$0x3], $0x4000, $0x38;
	[tilespmem:$0x1E080] =	vst v63  }
0x33: {  	_ =	swait.ge [sflag:s22], $0x4000  }
0x34: {  	[sflag:s22] =	ssyncset.done $0x0  }
0x35: {  	s8 =	rddreg [dreg:$0x6];
	[sflag:s22] =	ssyncadd.s32 $0xFFFFC000  }
0x36: {  	[spmem:s8] =	stream.linear.scatter [tilespmem:s21], [sflag:$0x3], $0x4000, $0x38;
	[tilespmem:$0x1E080] =	vst v63  }
0x37: {  	_ =	swait.ge [sflag:s22], $0x4000  }
0x38: {  	[sflag:s22] =	ssyncset.done $0x0  }
0x39: {  	s26 =	rddreg [dreg:$0x7];
	[sflag:s22] =	ssyncadd.s32 $0xFFFFC000  }
0x3a: {  	[spmem:s26] =	stream.linear.scatter [tilespmem:s21], [sflag:$0x3], $0x3800, $0x38;
	[tilespmem:$0x1E080] =	vst v63  }
0x3b: {  	_ =	swait.ge [sflag:s22], $0x3800  }
0x3c: {  	[sflag:s22] =	ssyncset.done $0x0  }
0x3d: {  	s0 =	simm.s32 @!p0 $0x2800;
	s26 =	simm.s32 @!p0 $0x3;
	[sflag:s22] =	ssyncadd.s32 $0xFFFFC800  }
0x3e: {  	[spmem:s9] =	stream.linear.scatter @!p0 [tilespmem:s0], [sflag:$0x3], $0x800, $0x38;
	[tilespmem:$0x1E080] =	vst v63  }
0x3f: {  	_ =	swait.ge @!p0 [sflag:s26], $0x800  }
0x40: {  	[sflag:s26] =	ssyncset.done @!p0 $0x0  }
0x41: {  	[sflag:s26] =	ssyncadd.s32 @!p0 $0xFFFFF800  }
0x42: {  	s0 =	simm.s32 @p1 $0x0;
	[bflag:$0x0] =	sbarrier.arrive $0xFFFF  }
0x43: {  	[tilespmem:s0], [sflag:$0x3] =	stream.linear.gather @p1 [hbm4b:s11+s0], $0xA00, $0x38;
	[tilespmem:$0x1E080] =	vst v63  }
0x44: {  	s0 =	simm.s32 @p1 $0x3  }
0x45: {  	_ =	swait.ge @p1 [sflag:s0], $0xA00  }
0x46: {  	[sflag:s0] =	ssyncset.done @p1 $0x0  }
0x47: {  	[sflag:s0] =	ssyncadd.s32 @p1 $0xFFFFF600;
	s0 =	simm.s32 @!p1 $0x0  }
0x48: {  	[tilespmem:s0], [sflag:$0x3] =	stream.linear.gather @!p1 [hbm4b:s10+s0], $0x2800, $0x38;
	[tilespmem:$0x1E080] =	vst v63  }
0x49: {  	s28 =	simm.s32 @!p1 $0x50;
	s0 =	simm.s32 @!p1 $0x3  }
0x4a: {  	s28 =	simm.s32 @p1 $0x14;
	_ =	swait.ge @!p1 [sflag:s0], $0x2800  }
0x4b: {  	s30 =	sshll.u32 s28, $0xB;
	[sflag:s0] =	ssyncset.done @!p1 $0x0  }
0x4c: {  	[sflag:s0] =	ssyncadd.s32 @!p1 $0xFFFFD800;
	s0 =	sand.u32 $0x3F000, s30  }
0x4d: {  	s0 =	sadd.s32 $0xFFFFF000, s0  }
0x4e: {  	p2 =	sne.s32 s0, $0x1000  }
.Ltmp1:
0x4f: {  	_ = 	snop;
	(pc) =	sbr.rel @!p2 .LBB2_4-.Ltmp1, $4  }
0x50: {  	_ = 	snop  }
0x51: {  	s31 =	simm.s32 $0x2;
	s29 =	simm.s32 $0x80;
	s1 =	simm.s32 $0x1000  }
0x52: {  	p3 =	por $0x0, $0x0;
	s6 =	simm.s32 $0x0;
	s7 =	simm.s32 $0x1  }
0x53: {  	[tilespmem:s21], [sflag:$0x1] =	stream.linear.gather [hbm4b:s12+s6], $0x4000, $0x38;
	[tilespmem:$0x1E080] =	vst v63  }
0x54: {  	p2 =	sle.u32 s28, $0x1  }
0x55: {  	s5 =	sadd.s32 @!p2 $0x0, s19  }
0x56: {  	s6 =	simm.s32 @!p2 $0x0;
	s7 =	simm.s32 @!p2 $0x6800;
	p2 =	por p2, p2  }
0x57: {  	[tilespmem:s7], [sflag:$0x2] =	stream.linear.gather @!p2 [hbm4b:s5+s6], $0x4000, $0x38;
	[tilespmem:$0x1E080] =	vst v63  }
0x58: {  	_ =	swait.ge [sflag:s23], $0x4000  }
0x59: {  	[sflag:s23] =	ssyncset.done $0x0  }
0x5a: {  	s8 =	simm.s32 $0x0;
	[sflag:s23] =	ssyncadd.s32 $0xFFFFC000  }
0x5b: {  	[spmem:s2] =	stream.indirect.scatter.add.f32 [tilespmem:s21], [sflag:$0x4], $0x80, s8, s24, $0xb8;
	[tilespmem:$0x1E080] =	vst v63  }
0x5c: {  	p3 =	sle.u32 s28, $0x2;
	_ =	swait.ge [sflag:s25], $0x4000  }
0x5d: {  	s30 =	sadd.s32 @!p3 $0x0, s20;
	s31 =	simm.s32 @!p3 $0x0;
	[sflag:s25] =	ssyncset.done $0x0  }
0x5e: {  	s5 =	simm.s32 @!p3 $0x2800;
	s6 =	simm.s32 @!p2 $0x2;
	[sflag:s25] =	ssyncadd.s32 $0xFFFFC000  }
0x5f: {  	[tilespmem:s5], [sflag:$0x1] =	stream.linear.gather @!p3 [hbm4b:s30+s31], $0x4000, $0x38;
	[tilespmem:$0x1E080] =	vst v63  }
0x60: {  	p4 =	sne.s32 s0, $0x2000;
	_ =	swait.ge @!p2 [sflag:s6], $0x4000  }
.Ltmp2:
0x61: {  	[sflag:s6] =	ssyncset.done @!p2 $0x0;
	(pc) =	sbr.rel @!p4 .LBB2_6-.Ltmp2, $4  }
0x62: {  	s30 =	simm.s32 $0x2000;
	s5 =	simm.s32 @!p2 $0x80;
	[sflag:s6] =	ssyncadd.s32 @!p2 $0xFFFFC000  }
0x63: {  	[spmem:s2] =	stream.indirect.scatter.add.f32 @!p2 [tilespmem:s7], [sflag:$0x3], $0x80, s29, s5, $0xb8;
	[tilespmem:$0x1E080] =	vst v63  }
0x64: {  	s31 =	simm.s32 $0x4;
	p3 =	por $0x1, $0x1;
	s5 =	simm.s32 @!p2 $0x3  }
0x65: {  	s7 =	simm.s32 $0x3;
	s29 =	simm.s32 $0x180;
	_ =	swait.ge @!p2 [sflag:s5], $0x4000  }
.LBB2_7:
0x66: {  	p5 =	sge.u32 s7, s28  }
0x67: {  	[sflag:s5] =	ssyncset.done @!p2 $0x0;
	s6 =	smov.u32 s30;
	s30 =	sadd.s32 $0x1000, s30  }
0x68: {  	s7 =	sadd.s32 @!p5 s1, s19;
	s18 =	simm.s32 @!p5 $0x0;
	s8 =	simm.s32 @!p5 $0x6800  }
0x69: {  	p4 =	sne.s32 s0, s30;
	[sflag:s5] =	ssyncadd.s32 @!p2 $0xFFFFC000;
	p2 =	por p5, p5  }
0x6a: {  	[tilespmem:s8], [sflag:$0x2] =	stream.linear.gather @!p2 [hbm4b:s7+s18], $0x4000, $0x38;
	[tilespmem:$0x1E080] =	vst v63  }
0x6b: {  	_ =	swait.ge [sflag:s23], $0x4000  }
0x6c: {  	s5 =	sadd.s32 $0xFFFFFF80, s29;
	[sflag:s23] =	ssyncset.done $0x0  }
0x6d: {  	[sflag:s23] =	ssyncadd.s32 $0xFFFFC000  }
0x6e: {  	[spmem:s2] =	stream.indirect.scatter.add.f32 [tilespmem:s21], [sflag:$0x4], $0x80, s5, s24, $0xb8;
	[tilespmem:$0x1E080] =	vst v63  }
0x6f: {  	p5 =	sge.u32 s31, s28;
	_ =	swait.ge [sflag:s25], $0x4000  }
0x70: {  	s7 =	simm.s32 @!p2 $0x2;
	s5 =	simm.s32 @!p5 $0x2800;
	[sflag:s25] =	ssyncset.done $0x0  }
0x71: {  	s1 =	sadd.s32 @!p5 s1, s20;
	s18 =	simm.s32 @!p5 $0x0;
	[sflag:s25] =	ssyncadd.s32 $0xFFFFC000  }
0x72: {  	[tilespmem:s5], [sflag:$0x1] =	stream.linear.gather @!p5 [hbm4b:s1+s18], $0x4000, $0x38;
	[tilespmem:$0x1E080] =	vst v63  }
.Ltmp3:
0x73: {  	s1 =	smov.u32 s6;
	_ =	swait.ge @!p2 [sflag:s7], $0x4000;
	(pc) =	sbr.rel @p4 .LBB2_7-.Ltmp3, $4  }
0x74: {  	s6 =	simm.s32 @!p2 $0x80;
	s5 =	simm.s32 @!p2 $0x3;
	[sflag:s7] =	ssyncset.done @!p2 $0x0  }
0x75: {  	s31 =	sadd.s32 $0x2, s31;
	s18 =	sadd.s32 $0x100, s29;
	[sflag:s7] =	ssyncadd.s32 @!p2 $0xFFFFC000  }
0x76: {  	[spmem:s2] =	stream.indirect.scatter.add.f32 @!p2 [tilespmem:s8], [sflag:$0x3], $0x80, s29, s6, $0xb8;
	[tilespmem:$0x1E080] =	vst v63  }
0x77: {  	s7 =	sadd.s32 $0xFFFFFFFF, s31;
	s29 =	smov.u32 s18;
	_ =	swait.ge @!p2 [sflag:s5], $0x4000  }
0x78: {  	s6 =	smov.u32 s1;
	s29 =	smov.u32 s18  }
.LBB2_9:
0x79: {  	p4 =	sge.u32 s7, s28;
	p2 =	por p2, !p3  }
0x7a: {  	[sflag:s5] =	ssyncset.done @!p2 $0x0;
	s0 =	sadd.s32 @!p4 s6, s19;
	s1 =	simm.s32 @!p4 $0x0  }
0x7b: {  	[sflag:s5] =	ssyncadd.s32 @!p2 $0xFFFFC000;
	s5 =	simm.s32 @!p4 $0x6800;
	p2 =	por p4, p4  }
0x7c: {  	[tilespmem:s5], [sflag:$0x2] =	stream.linear.gather @!p2 [hbm4b:s0+s1], $0x4000, $0x38;
	[tilespmem:$0x1E080] =	vst v63  }
0x7d: {  	_ =	swait.ge [sflag:s23], $0x4000  }
0x7e: {  	[sflag:s23] =	ssyncset.done $0x0  }
0x7f: {  	s8 =	sadd.s32 $0xFFFFFF80, s29;
	[sflag:s23] =	ssyncadd.s32 $0xFFFFC000  }
0x80: {  	[spmem:s2] =	stream.indirect.scatter.add.f32 [tilespmem:s21], [sflag:$0x4], $0x80, s8, s24, $0xb8;
	[tilespmem:$0x1E080] =	vst v63  }
0x81: {  	p3 =	sge.u32 s31, s28;
	_ =	swait.ge [sflag:s25], $0x4000  }
0x82: {  	s0 =	simm.s32 @!p3 $0x2800;
	[sflag:s25] =	ssyncset.done $0x0  }
0x83: {  	s1 =	sadd.s32 @!p3 s6, s20;
	s6 =	simm.s32 @!p3 $0x0;
	[sflag:s25] =	ssyncadd.s32 $0xFFFFC000  }
0x84: {  	[tilespmem:s0], [sflag:$0x1] =	stream.linear.gather @!p3 [hbm4b:s1+s6], $0x4000, $0x38;
	[tilespmem:$0x1E080] =	vst v63  }
0x85: {  	s0 =	simm.s32 @!p2 $0x2  }
0x86: {  	_ =	swait.ge @!p2 [sflag:s0], $0x4000  }
0x87: {  	[sflag:s0] =	ssyncset.done @!p2 $0x0  }
0x88: {  	s1 =	simm.s32 @!p2 $0x80;
	[sflag:s0] =	ssyncadd.s32 @!p2 $0xFFFFC000;
	s0 =	simm.s32 @!p2 $0x3  }
0x89: {  	[spmem:s2] =	stream.indirect.scatter.add.f32 @!p2 [tilespmem:s5], [sflag:$0x3], $0x80, s29, s1, $0xb8;
	[tilespmem:$0x1E080] =	vst v63  }
0x8a: {  	s31 =	sadd.s32 $0x2, s31;
	_ =	swait.ge @!p2 [sflag:s0], $0x4000  }
0x8b: {  	s7 =	sadd.s32 $0xFFFFFFFF, s31;
	[sflag:s0] =	ssyncset.done @!p2 $0x0  }
0x8c: {  	[sflag:s0] =	ssyncadd.s32 @!p2 $0xFFFFC000;
	p2 =	sge.u32 s7, s28  }
0x8d: {  	s0 =	sadd.s32 @!p2 s30, s17;
	s5 =	simm.s32 @!p2 $0x0;
	s6 =	simm.s32 @!p2 $0x6800  }
0x8e: {  	[tilespmem:s6], [sflag:$0x2] =	stream.linear.gather @!p2 [hbm4b:s0+s5], $0x4000, $0x38;
	[tilespmem:$0x1E080] =	vst v63  }
0x8f: {  	_ =	swait.ge [sflag:s23], $0x4000  }
0x90: {  	[sflag:s23] =	ssyncset.done $0x0  }
0x91: {  	s8 =	sadd.s32 $0x80, s18;
	[sflag:s23] =	ssyncadd.s32 $0xFFFFC000  }
0x92: {  	[spmem:s2] =	stream.indirect.scatter.add.f32 [tilespmem:s21], [sflag:$0x4], $0x80, s8, s24, $0xb8;
	[tilespmem:$0x1E080] =	vst v63  }
0x93: {  	p3 =	sge.u32 s31, s28;
	_ =	swait.ge [sflag:s25], $0x4000  }
0x94: {  	s1 =	simm.s32 @!p3 $0x0;
	[sflag:s25] =	ssyncset.done $0x0  }
0x95: {  	s0 =	sadd.s32 @!p3 s30, s16;
	s5 =	simm.s32 @!p3 $0x2800;
	[sflag:s25] =	ssyncadd.s32 $0xFFFFC000  }
0x96: {  	[tilespmem:s5], [sflag:$0x1] =	stream.linear.gather @!p3 [hbm4b:s0+s1], $0x4000, $0x38;
	[tilespmem:$0x1E080] =	vst v63  }
0x97: {  	s0 =	simm.s32 @!p2 $0x2  }
0x98: {  	_ =	swait.ge @!p2 [sflag:s0], $0x4000  }
0x99: {  	[sflag:s0] =	ssyncset.done @!p2 $0x0  }
0x9a: {  	s1 =	sadd.s32 $0x100, s29;
	[sflag:s0] =	ssyncadd.s32 @!p2 $0xFFFFC000;
	s0 =	simm.s32 @!p2 $0x80  }
0x9b: {  	[spmem:s2] =	stream.indirect.scatter.add.f32 @!p2 [tilespmem:s6], [sflag:$0x3], $0x80, s1, s0, $0xb8;
	[tilespmem:$0x1E080] =	vst v63  }
0x9c: {  	s0 =	simm.s32 @!p2 $0x3  }
0x9d: {  	_ =	swait.ge @!p2 [sflag:s0], $0x4000  }
0x9e: {  	s30 =	stileid.u32;
	[sflag:s0] =	ssyncset.done @!p2 $0x0  }
0x9f: {  	[sflag:s0] =	ssyncadd.s32 @!p2 $0xFFFFC000;
	s0 =	sshll.u32 s30, $0x6  }
0xa0: {  	s31 =	sshrl.u32 s4, $0x3;
	[bflag:$0x0] =	sbarrier.arrive $0xFFFF;
	s0 =	sor.u32 $0x1C03, s0  }
0xa1: {  	[hbm:s13], [sflag:s0] =	dma.local [spmem:s31], $0x2700  }
0xa2: {  	_ =	swait.ge [sflag:s22], $0x2700  }
0xa3: {  	s3 =	sadd.s32 $0x1, s3;
	[sflag:s22] =	ssyncset.done $0x0  }
0xa4: {  	s1 =	sshrl.u32 @!p0 s9, $0x3;
	p2 =	sne.s32 s3, s15;
	[sflag:s22] =	ssyncadd.s32 $0xFFFFD900  }
0xa5: {  	[hbm:s14], [sflag:s0] =	dma.local @!p0 [spmem:s1], $0x100  }
.Ltmp4:
0xa6: {  	_ = 	snop;
	(pc) =	sbr.rel @p2 .LBB2_1-.Ltmp4, $4  }
.Ltmp5:
0xa7: {  	_ = 	snop;
	(pc) =	sbr.rel @!p2 .LBB2_10-.Ltmp5, $4  }
0xa8: {  	_ =	swait.ge @!p0 [sflag:s26], $0x100  }
0xa9: {  	[sflag:s26] =	ssyncset.done @!p0 $0x0  }
0xaa: {  	[sflag:s26] =	ssyncadd.s32 @!p0 $0xFFFFFF00  }
0xab: {  	_ = 	snop  }
.LBB2_4:
.Ltmp6:
0xac: {  	(pc) =	sbr.rel .LBB2_9-.Ltmp6, $2  }
0xad: {  	_ =	sdelay $0x2  }
0xae: {  	s30 =	simm.s32 $0x1000  }
.LBB2_6:
.Ltmp7:
0xaf: {  	(pc) =	sbr.rel .LBB2_9-.Ltmp7, $2  }
0xb0: {  	_ =	sdelay $0x2  }
0xb1: {  	s6 =	simm.s32 $0x1000  }
.LBB2_10:
0xb2: {  	_ =	sfence.sel $0x180000  }
0xb3: {  	[bflag:$0x0] =	sbarrier.arrive $0xFFFF  }
0xb4: {  	_ =	strace $0x90000047  }
0xb5: {  	s0 =	stileid.u32;
	[bflag:$0x2] =	sbarrier.arrive $0xFFFF  }
0xb6: {  	p0 =	sne.s32 s0, $0x0;
	s0 =	rddreg [dreg:$0x3]  }
0xb7: {  	s0 =	sadd.s32 @!p0 $0x100000, s0  }
0xb8: {  	[sflag:s0] =	ssyncadd.tile.s32 @!p0 $0x1;
	_ =	shalt  }
.Lfunc_end2:
_tile_overlayer_lowered:
.L_overlay_start_2:
0xb9: {  	(tag) =	ssettag $0x2  }
0xba: {  	s0 =	rddreg [dreg:$0x0];
	s2 =	stileid.u32  }
0xbb: {  	s1 =	rddreg [dreg:$0x1];
	p0 =	sne.s32 s2, $0x0  }
0xbc: {  	s3 =	rddreg [dreg:$0x2];
	[bflag:$0x3] =	sbarrier.arrive $0xFFFF;
	s2 =	simm.s32 @!p0 $0x1C03  }
0xbd: {  	[timem:s3], [sflag:s2] =	dma.local @!p0 [hbm:s0], s1  }
0xbe: {  	s0 =	simm.s32 @!p0 $0x3  }
0xbf: {  	_ =	swait.ge @!p0 [sflag:s0], s1  }
0xc0: {  	s1 =	ssub.s32 @!p0 $0x0, s1;
	[sflag:s0] =	ssyncset.done @!p0 $0x0  }
0xc1: {  	[sflag:s0] =	ssyncadd.s32 @!p0 s1  }
0xc2: {  	[bflag:$0x3] =	sbarrier.arrive $0xFFFF  }
0xc3: {  	_ =	shalt  }

</sc_bundles>
